<compile_context>
chip_gen: v7x
topology: tpu7x:2x2x1
jax: 0.10.2.dev20260603
libtpu: 0.0.44.dev20260713+nightly
codegen_flags: <defaults>
</compile_context>

<pallas_src>
import jax
import jax.numpy as jnp
from jax.experimental import pallas as pl

B = 10000
N = 16
D = 128
T = 128
H = 2
QD = D + T
KD = D + T + D
HD = QD // H

BB = 400
GROUP = 4


def _attn_kernel(query_ref, nbr_ref, tim_ref, edg_ref, sel_ref,
                 wq_ref, bq_ref, wkT_ref, wv_ref, bv_ref,
                 wo_ref, bo_ref, wfc1_ref, bfc1_ref, wfc2_ref, bfc2_ref,
                 out_ref):
    f32 = jnp.float32
    query = query_ref[...]
    q = jnp.dot(query, wq_ref[...], preferred_element_type=f32) + bq_ref[...]
    q = q * (HD ** -0.5)
    qt = [jnp.dot(q[:, h * HD:(h + 1) * HD],
                  wkT_ref[h * HD:(h + 1) * HD, :],
                  preferred_element_type=f32) for h in range(H)]

    scores = [jnp.zeros((BB, N), f32) for _ in range(H)]
    for g in range(N // GROUP):
        accs = [[], []]
        for j in range(GROUP):
            n = g * GROUP + j
            zn = nbr_ref[:, n * D:(n + 1) * D]
            tn = tim_ref[:, n * T:(n + 1) * T]
            en = edg_ref[:, n * D:(n + 1) * D]
            for h in range(H):
                accs[h].append(zn * qt[h][:, 0:D]
                               + tn * qt[h][:, D:D + T]
                               + en * qt[h][:, D + T:KD])
        sel = sel_ref[g * GROUP * D:(g + 1) * GROUP * D, :]
        for h in range(H):
            cat = jnp.concatenate(accs[h], axis=1)
            scores[h] = scores[h] + jnp.dot(
                cat, sel, preferred_element_type=f32)

    attn = []
    for h in range(H):
        s = scores[h]
        s = s - jnp.max(s, axis=1, keepdims=True)
        e = jnp.exp(s)
        attn.append(e / jnp.sum(e, axis=1, keepdims=True))

    sums = [[jnp.zeros((BB, D), f32) for _ in range(3)] for _ in range(H)]
    for n in range(N):
        zn = nbr_ref[:, n * D:(n + 1) * D]
        tn = tim_ref[:, n * T:(n + 1) * T]
        en = edg_ref[:, n * D:(n + 1) * D]
        for h in range(H):
            w = attn[h][:, n:n + 1]
            sums[h][0] = sums[h][0] + zn * w
            sums[h][1] = sums[h][1] + tn * w
            sums[h][2] = sums[h][2] + en * w
    ctx = []
    for h in range(H):
        hs = slice(h * HD, (h + 1) * HD)
        ctx.append(jnp.dot(sums[h][0], wv_ref[0:D, hs],
                           preferred_element_type=f32)
                   + jnp.dot(sums[h][1], wv_ref[D:D + T, hs],
                             preferred_element_type=f32)
                   + jnp.dot(sums[h][2], wv_ref[D + T:KD, hs],
                             preferred_element_type=f32))

    ctx_cat = jnp.concatenate(ctx, axis=1) + bv_ref[...]
    attn_out = jnp.dot(ctx_cat, wo_ref[...],
                       preferred_element_type=f32) + bo_ref[...]
    h1 = (jnp.dot(attn_out, wfc1_ref[0:QD, :], preferred_element_type=f32)
          + jnp.dot(query[:, 0:D], wfc1_ref[QD:QD + D, :],
                    preferred_element_type=f32)
          + bfc1_ref[...])
    h1 = jnp.maximum(h1, 0.0)
    out_ref[...] = jnp.dot(h1, wfc2_ref[...],
                           preferred_element_type=f32) + bfc2_ref[...]


def kernel(num_layers, source_nodes_features, source_nodes_time_embeddings,
           neighbor_embeddings, edges_time_embeddings, edges_features, mask,
           W_q, b_q, W_k, b_k, W_v, b_v, W_o, b_o,
           W_fc1, b_fc1, W_fc2, b_fc2):
    del num_layers, mask, b_k
    query = jnp.concatenate(
        [source_nodes_features, source_nodes_time_embeddings[:, 0, :]], axis=1)
    sel = jnp.kron(jnp.eye(N, dtype=jnp.float32),
                   jnp.ones((D, 1), dtype=jnp.float32))

    row = lambda i: (i, 0)
    row3 = lambda i: (i, 0, 0)
    const = lambda i: (0, 0)

    grid = (B // BB,)
    out = pl.pallas_call(
        _attn_kernel,
        grid=grid,
        in_specs=[
            pl.BlockSpec((BB, QD), row),
            pl.BlockSpec((BB, N * D), row),
            pl.BlockSpec((BB, N * T), row),
            pl.BlockSpec((BB, N * D), row),
            pl.BlockSpec((N * D, N), const),
            pl.BlockSpec((QD, QD), const),
            pl.BlockSpec((1, QD), const),
            pl.BlockSpec((QD, KD), const),
            pl.BlockSpec((KD, QD), const),
            pl.BlockSpec((1, QD), const),
            pl.BlockSpec((QD, QD), const),
            pl.BlockSpec((1, QD), const),
            pl.BlockSpec((QD + D, D), const),
            pl.BlockSpec((1, D), const),
            pl.BlockSpec((D, D), const),
            pl.BlockSpec((1, D), const),
        ],
        out_specs=pl.BlockSpec((BB, D), row),
        out_shape=jax.ShapeDtypeStruct((B, D), jnp.float32),
    )(query, neighbor_embeddings.reshape(B, N * D),
      edges_time_embeddings.reshape(B, N * T),
      edges_features.reshape(B, N * D), sel,
      W_q, b_q.reshape(1, QD), W_k.T, W_v, b_v.reshape(1, QD),
      W_o, b_o.reshape(1, QD), W_fc1, b_fc1.reshape(1, D),
      W_fc2, b_fc2.reshape(1, D))
    return out

# --- scband reference (transcript-rebuilt; emitter-appended) ---
"""Pipeline reference for scband-items-neighbors-embeddings-aggregation-21199958573415 (READ-ONLY COPY).

The authoritative reference and input builder live on the scoring server;
editing this copy changes nothing except your own understanding.
"""

import jax, jax.numpy as jnp
import numpy as np

B = 10000
N = 16
D = 128   # users_dim == items_dim
T = 128   # time_dim
H = 2     # num_heads
QD = D + T           # query dim = 256
KD = D + T + D       # key dim = 384 (neighbor_emb || time_emb || edge_feat)
HD = QD // H         # head dim = 128


def _init(key, shape, scale):
    return jax.random.normal(key, shape, dtype=jnp.float32) * scale


def setup_inputs(seed: int = 0) -> dict:
    key = jax.random.key(seed)
    ks = jax.random.split(key, 20)
    inp = {}
    inp["num_layers"] = 1
    inp["source_nodes_features"] = jax.random.normal(ks[0], (B, D), dtype=jnp.float32)
    inp["source_nodes_time_embeddings"] = jax.random.normal(ks[1], (B, 1, T), dtype=jnp.float32)
    inp["neighbor_embeddings"] = jax.random.normal(ks[2], (B, N, D), dtype=jnp.float32)
    inp["edges_time_embeddings"] = jax.random.normal(ks[3], (B, N, T), dtype=jnp.float32)
    inp["edges_features"] = jax.random.normal(ks[4], (B, N, D), dtype=jnp.float32)
    inp["mask"] = jnp.zeros((B, N), dtype=bool)
    # TemporalAttentionLayer parameters (multihead attn with kdim=vdim=KD + MergeLayer)
    inp["W_q"] = _init(ks[5], (QD, QD), QD ** -0.5)
    inp["b_q"] = jnp.zeros((QD,), dtype=jnp.float32)
    inp["W_k"] = _init(ks[6], (KD, QD), KD ** -0.5)
    inp["b_k"] = jnp.zeros((QD,), dtype=jnp.float32)
    inp["W_v"] = _init(ks[7], (KD, QD), KD ** -0.5)
    inp["b_v"] = jnp.zeros((QD,), dtype=jnp.float32)
    inp["W_o"] = _init(ks[8], (QD, QD), QD ** -0.5)
    inp["b_o"] = jnp.zeros((QD,), dtype=jnp.float32)
    inp["W_fc1"] = _init(ks[9], (QD + D, D), (QD + D) ** -0.5)
    inp["b_fc1"] = jnp.zeros((D,), dtype=jnp.float32)
    inp["W_fc2"] = _init(ks[10], (D, D), D ** -0.5)
    inp["b_fc2"] = jnp.zeros((D,), dtype=jnp.float32)
    return inp


def _temporal_attention(src_f, src_t, nbr_e, edge_t, edge_f, mask,
                        W_q, b_q, W_k, b_k, W_v, b_v, W_o, b_o,
                        W_fc1, b_fc1, W_fc2, b_fc2):
    # query = [src_features || src_time_embedding], key/value = [nbr || time || edge]
    query = jnp.concatenate([src_f[:, None, :], src_t], axis=2)           # [B, 1, QD]
    key = jnp.concatenate([nbr_e, edge_t, edge_f], axis=2)                # [B, N, KD]
    q = (query @ W_q + b_q).reshape(query.shape[0], 1, H, HD)             # [B, 1, H, HD]
    k = (key @ W_k + b_k).reshape(key.shape[0], key.shape[1], H, HD)      # [B, N, H, HD]
    v = (key @ W_v + b_v).reshape(key.shape[0], key.shape[1], H, HD)
    scores = jnp.einsum('bqhd,bkhd->bhqk', q, k) / jnp.sqrt(jnp.float32(HD))
    scores = jnp.where(mask[:, None, None, :], jnp.float32(-1e9), scores)
    attn = jax.nn.softmax(scores, axis=-1)                                # [B, H, 1, N]
    ctx = jnp.einsum('bhqk,bkhd->bqhd', attn, v)                          # [B, 1, H, HD]
    ctx = ctx.reshape(ctx.shape[0], 1, QD)
    attn_out = (ctx @ W_o + b_o)[:, 0, :]                                 # [B, QD]
    # invalid-neighborhood handling (all neighbors masked -> zero output)
    all_masked = jnp.all(mask, axis=1)
    attn_out = jnp.where(all_masked[:, None], 0.0, attn_out)
    # MergeLayer: fc2(relu(fc1(cat(attn_out, src_features))))
    h = jnp.concatenate([attn_out, src_f], axis=1)                        # [B, QD + D]
    h = jax.nn.relu(h @ W_fc1 + b_fc1)
    out = h @ W_fc2 + b_fc2                                               # [B, D]
    return out


def reference(num_layers, source_nodes_features, source_nodes_time_embeddings,
              neighbor_embeddings, edges_time_embeddings, edges_features, mask,
              W_q, b_q, W_k, b_k, W_v, b_v, W_o, b_o,
              W_fc1, b_fc1, W_fc2, b_fc2):
    # neighbors_aggregation selects attention_models[num_layers - 1]; single layer here
    del num_layers
    return _temporal_attention(source_nodes_features, source_nodes_time_embeddings,
                               neighbor_embeddings, edges_time_embeddings, edges_features,
                               mask, W_q, b_q, W_k, b_k, W_v, b_v, W_o, b_o,
                               W_fc1, b_fc1, W_fc2, b_fc2)

if __name__ == "__main__":
    import jax
    _d = setup_inputs()
    print(jax.jit(kernel)(*tuple(_d.values())))

</pallas_src>

<mosaic_0001>
module attributes {stable_mosaic.version = 14 : i64} {
  func.func @_attn_kernel(%arg0: i32, %arg1: memref<400x256xf32, #tpu.memory_space<vmem>>, %arg2: memref<400x2048xf32, #tpu.memory_space<vmem>>, %arg3: memref<400x2048xf32, #tpu.memory_space<vmem>>, %arg4: memref<400x2048xf32, #tpu.memory_space<vmem>>, %arg5: memref<2048x16xf32, #tpu.memory_space<vmem>>, %arg6: memref<256x256xf32, #tpu.memory_space<vmem>>, %arg7: memref<1x256xf32, #tpu.memory_space<vmem>>, %arg8: memref<256x384xf32, #tpu.memory_space<vmem>>, %arg9: memref<384x256xf32, #tpu.memory_space<vmem>>, %arg10: memref<1x256xf32, #tpu.memory_space<vmem>>, %arg11: memref<256x256xf32, #tpu.memory_space<vmem>>, %arg12: memref<1x256xf32, #tpu.memory_space<vmem>>, %arg13: memref<384x128xf32, #tpu.memory_space<vmem>>, %arg14: memref<1x128xf32, #tpu.memory_space<vmem>>, %arg15: memref<128x128xf32, #tpu.memory_space<vmem>>, %arg16: memref<1x128xf32, #tpu.memory_space<vmem>>, %arg17: memref<400x128xf32, #tpu.memory_space<vmem>>) attributes {dimension_semantics = [#tpu.dimension_semantics<arbitrary>], iteration_bounds = array<i64: 25>, scalar_prefetch = 0 : i64, scratch_operands = 0 : i64, tpu.core_type = #tpu.core_type<tc>, window_params = [{transform_indices = @transform_0, window_bounds = array<i64: 400, 256>}, {transform_indices = @transform_1, window_bounds = array<i64: 400, 2048>}, {transform_indices = @transform_2, window_bounds = array<i64: 400, 2048>}, {transform_indices = @transform_3, window_bounds = array<i64: 400, 2048>}, {pipeline_mode = #tpu.pipeline_mode<synchronous>, transform_indices = @transform_4, window_bounds = array<i64: 2048, 16>}, {pipeline_mode = #tpu.pipeline_mode<synchronous>, transform_indices = @transform_5, window_bounds = array<i64: 256, 256>}, {pipeline_mode = #tpu.pipeline_mode<synchronous>, transform_indices = @transform_6, window_bounds = array<i64: 1, 256>}, {pipeline_mode = #tpu.pipeline_mode<synchronous>, transform_indices = @transform_7, window_bounds = array<i64: 256, 384>}, {pipeline_mode = #tpu.pipeline_mode<synchronous>, transform_indices = @transform_8, window_bounds = array<i64: 384, 256>}, {pipeline_mode = #tpu.pipeline_mode<synchronous>, transform_indices = @transform_9, window_bounds = array<i64: 1, 256>}, {pipeline_mode = #tpu.pipeline_mode<synchronous>, transform_indices = @transform_10, window_bounds = array<i64: 256, 256>}, {pipeline_mode = #tpu.pipeline_mode<synchronous>, transform_indices = @transform_11, window_bounds = array<i64: 1, 256>}, {pipeline_mode = #tpu.pipeline_mode<synchronous>, transform_indices = @transform_12, window_bounds = array<i64: 384, 128>}, {pipeline_mode = #tpu.pipeline_mode<synchronous>, transform_indices = @transform_13, window_bounds = array<i64: 1, 128>}, {pipeline_mode = #tpu.pipeline_mode<synchronous>, transform_indices = @transform_14, window_bounds = array<i64: 128, 128>}, {pipeline_mode = #tpu.pipeline_mode<synchronous>, transform_indices = @transform_15, window_bounds = array<i64: 1, 128>}, {transform_indices = @transform_16, window_bounds = array<i64: 400, 128>}]} {
    %get3A = arith.constant 0 : index
    %get3A_0 = arith.constant 0 : index
    %get3A_1 = vector.load %arg1[%get3A, %get3A_0] : memref<400x256xf32, #tpu.memory_space<vmem>>, vector<400x256xf32>
    %get3A_2 = arith.constant 0 : index
    %get3A_3 = arith.constant 0 : index
    %get3A_4 = vector.load %arg6[%get3A_2, %get3A_3] : memref<256x256xf32, #tpu.memory_space<vmem>>, vector<256x256xf32>
    %dot_general3A = arith.constant dense<0.000000e+00> : vector<400x256xf32>
    %dot_general3A_5 = tpu.matmul %get3A_1, %get3A_4, %dot_general3A {dimension_numbers = #tpu.dot_dimension_numbers<[1], [0], [0], [1], [0, 0, 1, 1], [], []>, transpose_lhs_hint = false} : vector<400x256xf32>, vector<256x256xf32>, vector<400x256xf32> -> vector<400x256xf32>
    %get3A_6 = arith.constant 0 : index
    %get3A_7 = arith.constant 0 : index
    %get3A_8 = vector.load %arg7[%get3A_6, %get3A_7] : memref<1x256xf32, #tpu.memory_space<vmem>>, vector<1x256xf32>
    %add3A = vector.broadcast %get3A_8 : vector<1x256xf32> to vector<400x256xf32>
    %add3A_9 = arith.addf %dot_general3A_5, %add3A : vector<400x256xf32>
    %mul3A = arith.constant 0.0883883461 : f32
    %mul3A_10 = vector.broadcast %mul3A : f32 to vector<400x256xf32>
    %mul3A_11 = arith.mulf %add3A_9, %mul3A_10 : vector<400x256xf32>
    %slice3A = vector.extract_strided_slice %mul3A_11 {offsets = [0, 0], sizes = [400, 128], strides = [1, 1]} : vector<400x256xf32> to vector<400x128xf32>
    %get3A_12 = arith.constant 0 : index
    %get3A_13 = arith.constant 0 : index
    %get3A_14 = vector.load %arg8[%get3A_12, %get3A_13] : memref<256x384xf32, #tpu.memory_space<vmem>>, vector<128x384xf32>
    %dot_general3A_15 = arith.constant dense<0.000000e+00> : vector<400x384xf32>
    %dot_general3A_16 = tpu.matmul %slice3A, %get3A_14, %dot_general3A_15 {dimension_numbers = #tpu.dot_dimension_numbers<[1], [0], [0], [1], [0, 0, 1, 1], [], []>, transpose_lhs_hint = false} : vector<400x128xf32>, vector<128x384xf32>, vector<400x384xf32> -> vector<400x384xf32>
    %slice3A_17 = vector.extract_strided_slice %mul3A_11 {offsets = [0, 128], sizes = [400, 128], strides = [1, 1]} : vector<400x256xf32> to vector<400x128xf32>
    %get3A_18 = arith.constant 128 : index
    %get3A_19 = arith.constant 0 : index
    %get3A_20 = vector.load %arg8[%get3A_18, %get3A_19] : memref<256x384xf32, #tpu.memory_space<vmem>>, vector<128x384xf32>
    %dot_general3A_21 = arith.constant dense<0.000000e+00> : vector<400x384xf32>
    %dot_general3A_22 = tpu.matmul %slice3A_17, %get3A_20, %dot_general3A_21 {dimension_numbers = #tpu.dot_dimension_numbers<[1], [0], [0], [1], [0, 0, 1, 1], [], []>, transpose_lhs_hint = false} : vector<400x128xf32>, vector<128x384xf32>, vector<400x384xf32> -> vector<400x384xf32>
    %broadcast_in_dim3A = arith.constant 0.000000e+00 : f32
    %broadcast_in_dim3A_23 = vector.broadcast %broadcast_in_dim3A : f32 to vector<400x16xf32>
    %broadcast_in_dim3A_24 = arith.constant 0.000000e+00 : f32
    %broadcast_in_dim3A_25 = vector.broadcast %broadcast_in_dim3A_24 : f32 to vector<400x16xf32>
    %get3A_26 = arith.constant 0 : index
    %get3A_27 = arith.constant 0 : index
    %get3A_28 = vector.load %arg2[%get3A_26, %get3A_27] : memref<400x2048xf32, #tpu.memory_space<vmem>>, vector<400x128xf32>
    %get3A_29 = arith.constant 0 : index
    %get3A_30 = arith.constant 0 : index
    %get3A_31 = vector.load %arg3[%get3A_29, %get3A_30] : memref<400x2048xf32, #tpu.memory_space<vmem>>, vector<400x128xf32>
    %get3A_32 = arith.constant 0 : index
    %get3A_33 = arith.constant 0 : index
    %get3A_34 = vector.load %arg4[%get3A_32, %get3A_33] : memref<400x2048xf32, #tpu.memory_space<vmem>>, vector<400x128xf32>
    %slice3A_35 = vector.extract_strided_slice %dot_general3A_16 {offsets = [0, 0], sizes = [400, 128], strides = [1, 1]} : vector<400x384xf32> to vector<400x128xf32>
    %mul3A_36 = arith.mulf %get3A_28, %slice3A_35 : vector<400x128xf32>
    %slice3A_37 = vector.extract_strided_slice %dot_general3A_16 {offsets = [0, 128], sizes = [400, 128], strides = [1, 1]} : vector<400x384xf32> to vector<400x128xf32>
    %mul3A_38 = arith.mulf %get3A_31, %slice3A_37 : vector<400x128xf32>
    %add3A_39 = arith.addf %mul3A_36, %mul3A_38 : vector<400x128xf32>
    %slice3A_40 = vector.extract_strided_slice %dot_general3A_16 {offsets = [0, 256], sizes = [400, 128], strides = [1, 1]} : vector<400x384xf32> to vector<400x128xf32>
    %mul3A_41 = arith.mulf %get3A_34, %slice3A_40 : vector<400x128xf32>
    %add3A_42 = arith.addf %add3A_39, %mul3A_41 : vector<400x128xf32>
    %slice3A_43 = vector.extract_strided_slice %dot_general3A_22 {offsets = [0, 0], sizes = [400, 128], strides = [1, 1]} : vector<400x384xf32> to vector<400x128xf32>
    %mul3A_44 = arith.mulf %get3A_28, %slice3A_43 : vector<400x128xf32>
    %slice3A_45 = vector.extract_strided_slice %dot_general3A_22 {offsets = [0, 128], sizes = [400, 128], strides = [1, 1]} : vector<400x384xf32> to vector<400x128xf32>
    %mul3A_46 = arith.mulf %get3A_31, %slice3A_45 : vector<400x128xf32>
    %add3A_47 = arith.addf %mul3A_44, %mul3A_46 : vector<400x128xf32>
    %slice3A_48 = vector.extract_strided_slice %dot_general3A_22 {offsets = [0, 256], sizes = [400, 128], strides = [1, 1]} : vector<400x384xf32> to vector<400x128xf32>
    %mul3A_49 = arith.mulf %get3A_34, %slice3A_48 : vector<400x128xf32>
    %add3A_50 = arith.addf %add3A_47, %mul3A_49 : vector<400x128xf32>
    %get3A_51 = arith.constant 0 : index
    %get3A_52 = arith.constant 128 : index
    %get3A_53 = vector.load %arg2[%get3A_51, %get3A_52] : memref<400x2048xf32, #tpu.memory_space<vmem>>, vector<400x128xf32>
    %get3A_54 = arith.constant 0 : index
    %get3A_55 = arith.constant 128 : index
    %get3A_56 = vector.load %arg3[%get3A_54, %get3A_55] : memref<400x2048xf32, #tpu.memory_space<vmem>>, vector<400x128xf32>
    %get3A_57 = arith.constant 0 : index
    %get3A_58 = arith.constant 128 : index
    %get3A_59 = vector.load %arg4[%get3A_57, %get3A_58] : memref<400x2048xf32, #tpu.memory_space<vmem>>, vector<400x128xf32>
    %slice3A_60 = vector.extract_strided_slice %dot_general3A_16 {offsets = [0, 0], sizes = [400, 128], strides = [1, 1]} : vector<400x384xf32> to vector<400x128xf32>
    %mul3A_61 = arith.mulf %get3A_53, %slice3A_60 : vector<400x128xf32>
    %slice3A_62 = vector.extract_strided_slice %dot_general3A_16 {offsets = [0, 128], sizes = [400, 128], strides = [1, 1]} : vector<400x384xf32> to vector<400x128xf32>
    %mul3A_63 = arith.mulf %get3A_56, %slice3A_62 : vector<400x128xf32>
    %add3A_64 = arith.addf %mul3A_61, %mul3A_63 : vector<400x128xf32>
    %slice3A_65 = vector.extract_strided_slice %dot_general3A_16 {offsets = [0, 256], sizes = [400, 128], strides = [1, 1]} : vector<400x384xf32> to vector<400x128xf32>
    %mul3A_66 = arith.mulf %get3A_59, %slice3A_65 : vector<400x128xf32>
    %add3A_67 = arith.addf %add3A_64, %mul3A_66 : vector<400x128xf32>
    %slice3A_68 = vector.extract_strided_slice %dot_general3A_22 {offsets = [0, 0], sizes = [400, 128], strides = [1, 1]} : vector<400x384xf32> to vector<400x128xf32>
    %mul3A_69 = arith.mulf %get3A_53, %slice3A_68 : vector<400x128xf32>
    %slice3A_70 = vector.extract_strided_slice %dot_general3A_22 {offsets = [0, 128], sizes = [400, 128], strides = [1, 1]} : vector<400x384xf32> to vector<400x128xf32>
    %mul3A_71 = arith.mulf %get3A_56, %slice3A_70 : vector<400x128xf32>
    %add3A_72 = arith.addf %mul3A_69, %mul3A_71 : vector<400x128xf32>
    %slice3A_73 = vector.extract_strided_slice %dot_general3A_22 {offsets = [0, 256], sizes = [400, 128], strides = [1, 1]} : vector<400x384xf32> to vector<400x128xf32>
    %mul3A_74 = arith.mulf %get3A_59, %slice3A_73 : vector<400x128xf32>
    %add3A_75 = arith.addf %add3A_72, %mul3A_74 : vector<400x128xf32>
    %get3A_76 = arith.constant 0 : index
    %get3A_77 = arith.constant 256 : index
    %get3A_78 = vector.load %arg2[%get3A_76, %get3A_77] : memref<400x2048xf32, #tpu.memory_space<vmem>>, vector<400x128xf32>
    %get3A_79 = arith.constant 0 : index
    %get3A_80 = arith.constant 256 : index
    %get3A_81 = vector.load %arg3[%get3A_79, %get3A_80] : memref<400x2048xf32, #tpu.memory_space<vmem>>, vector<400x128xf32>
    %get3A_82 = arith.constant 0 : index
    %get3A_83 = arith.constant 256 : index
    %get3A_84 = vector.load %arg4[%get3A_82, %get3A_83] : memref<400x2048xf32, #tpu.memory_space<vmem>>, vector<400x128xf32>
    %slice3A_85 = vector.extract_strided_slice %dot_general3A_16 {offsets = [0, 0], sizes = [400, 128], strides = [1, 1]} : vector<400x384xf32> to vector<400x128xf32>
    %mul3A_86 = arith.mulf %get3A_78, %slice3A_85 : vector<400x128xf32>
    %slice3A_87 = vector.extract_strided_slice %dot_general3A_16 {offsets = [0, 128], sizes = [400, 128], strides = [1, 1]} : vector<400x384xf32> to vector<400x128xf32>
    %mul3A_88 = arith.mulf %get3A_81, %slice3A_87 : vector<400x128xf32>
    %add3A_89 = arith.addf %mul3A_86, %mul3A_88 : vector<400x128xf32>
    %slice3A_90 = vector.extract_strided_slice %dot_general3A_16 {offsets = [0, 256], sizes = [400, 128], strides = [1, 1]} : vector<400x384xf32> to vector<400x128xf32>
    %mul3A_91 = arith.mulf %get3A_84, %slice3A_90 : vector<400x128xf32>
    %add3A_92 = arith.addf %add3A_89, %mul3A_91 : vector<400x128xf32>
    %slice3A_93 = vector.extract_strided_slice %dot_general3A_22 {offsets = [0, 0], sizes = [400, 128], strides = [1, 1]} : vector<400x384xf32> to vector<400x128xf32>
    %mul3A_94 = arith.mulf %get3A_78, %slice3A_93 : vector<400x128xf32>
    %slice3A_95 = vector.extract_strided_slice %dot_general3A_22 {offsets = [0, 128], sizes = [400, 128], strides = [1, 1]} : vector<400x384xf32> to vector<400x128xf32>
    %mul3A_96 = arith.mulf %get3A_81, %slice3A_95 : vector<400x128xf32>
    %add3A_97 = arith.addf %mul3A_94, %mul3A_96 : vector<400x128xf32>
    %slice3A_98 = vector.extract_strided_slice %dot_general3A_22 {offsets = [0, 256], sizes = [400, 128], strides = [1, 1]} : vector<400x384xf32> to vector<400x128xf32>
    %mul3A_99 = arith.mulf %get3A_84, %slice3A_98 : vector<400x128xf32>
    %add3A_100 = arith.addf %add3A_97, %mul3A_99 : vector<400x128xf32>
    %get3A_101 = arith.constant 0 : index
    %get3A_102 = arith.constant 384 : index
    %get3A_103 = vector.load %arg2[%get3A_101, %get3A_102] : memref<400x2048xf32, #tpu.memory_space<vmem>>, vector<400x128xf32>
    %get3A_104 = arith.constant 0 : index
    %get3A_105 = arith.constant 384 : index
    %get3A_106 = vector.load %arg3[%get3A_104, %get3A_105] : memref<400x2048xf32, #tpu.memory_space<vmem>>, vector<400x128xf32>
    %get3A_107 = arith.constant 0 : index
    %get3A_108 = arith.constant 384 : index
    %get3A_109 = vector.load %arg4[%get3A_107, %get3A_108] : memref<400x2048xf32, #tpu.memory_space<vmem>>, vector<400x128xf32>
    %slice3A_110 = vector.extract_strided_slice %dot_general3A_16 {offsets = [0, 0], sizes = [400, 128], strides = [1, 1]} : vector<400x384xf32> to vector<400x128xf32>
    %mul3A_111 = arith.mulf %get3A_103, %slice3A_110 : vector<400x128xf32>
    %slice3A_112 = vector.extract_strided_slice %dot_general3A_16 {offsets = [0, 128], sizes = [400, 128], strides = [1, 1]} : vector<400x384xf32> to vector<400x128xf32>
    %mul3A_113 = arith.mulf %get3A_106, %slice3A_112 : vector<400x128xf32>
    %add3A_114 = arith.addf %mul3A_111, %mul3A_113 : vector<400x128xf32>
    %slice3A_115 = vector.extract_strided_slice %dot_general3A_16 {offsets = [0, 256], sizes = [400, 128], strides = [1, 1]} : vector<400x384xf32> to vector<400x128xf32>
    %mul3A_116 = arith.mulf %get3A_109, %slice3A_115 : vector<400x128xf32>
    %add3A_117 = arith.addf %add3A_114, %mul3A_116 : vector<400x128xf32>
    %slice3A_118 = vector.extract_strided_slice %dot_general3A_22 {offsets = [0, 0], sizes = [400, 128], strides = [1, 1]} : vector<400x384xf32> to vector<400x128xf32>
    %mul3A_119 = arith.mulf %get3A_103, %slice3A_118 : vector<400x128xf32>
    %slice3A_120 = vector.extract_strided_slice %dot_general3A_22 {offsets = [0, 128], sizes = [400, 128], strides = [1, 1]} : vector<400x384xf32> to vector<400x128xf32>
    %mul3A_121 = arith.mulf %get3A_106, %slice3A_120 : vector<400x128xf32>
    %add3A_122 = arith.addf %mul3A_119, %mul3A_121 : vector<400x128xf32>
    %slice3A_123 = vector.extract_strided_slice %dot_general3A_22 {offsets = [0, 256], sizes = [400, 128], strides = [1, 1]} : vector<400x384xf32> to vector<400x128xf32>
    %mul3A_124 = arith.mulf %get3A_109, %slice3A_123 : vector<400x128xf32>
    %add3A_125 = arith.addf %add3A_122, %mul3A_124 : vector<400x128xf32>
    %get3A_126 = arith.constant 0 : index
    %get3A_127 = arith.constant 0 : index
    %get3A_128 = vector.load %arg5[%get3A_126, %get3A_127] : memref<2048x16xf32, #tpu.memory_space<vmem>>, vector<512x16xf32>
    %concatenate3A = tpu.concatenate %add3A_42, %add3A_67, %add3A_92, %add3A_117 in 1 : vector<400x128xf32>, vector<400x128xf32>, vector<400x128xf32>, vector<400x128xf32> -> vector<400x512xf32>
    %dot_general3A_129 = arith.constant dense<0.000000e+00> : vector<400x16xf32>
    %dot_general3A_130 = tpu.matmul %concatenate3A, %get3A_128, %dot_general3A_129 {dimension_numbers = #tpu.dot_dimension_numbers<[1], [0], [0], [1], [0, 0, 1, 1], [], []>, transpose_lhs_hint = false} : vector<400x512xf32>, vector<512x16xf32>, vector<400x16xf32> -> vector<400x16xf32>
    %add3A_131 = arith.addf %broadcast_in_dim3A_23, %dot_general3A_130 : vector<400x16xf32>
    %concatenate3A_132 = tpu.concatenate %add3A_50, %add3A_75, %add3A_100, %add3A_125 in 1 : vector<400x128xf32>, vector<400x128xf32>, vector<400x128xf32>, vector<400x128xf32> -> vector<400x512xf32>
    %dot_general3A_133 = arith.constant dense<0.000000e+00> : vector<400x16xf32>
    %dot_general3A_134 = tpu.matmul %concatenate3A_132, %get3A_128, %dot_general3A_133 {dimension_numbers = #tpu.dot_dimension_numbers<[1], [0], [0], [1], [0, 0, 1, 1], [], []>, transpose_lhs_hint = false} : vector<400x512xf32>, vector<512x16xf32>, vector<400x16xf32> -> vector<400x16xf32>
    %add3A_135 = arith.addf %broadcast_in_dim3A_25, %dot_general3A_134 : vector<400x16xf32>
    %get3A_136 = arith.constant 0 : index
    %get3A_137 = arith.constant 512 : index
    %get3A_138 = vector.load %arg2[%get3A_136, %get3A_137] : memref<400x2048xf32, #tpu.memory_space<vmem>>, vector<400x128xf32>
    %get3A_139 = arith.constant 0 : index
    %get3A_140 = arith.constant 512 : index
    %get3A_141 = vector.load %arg3[%get3A_139, %get3A_140] : memref<400x2048xf32, #tpu.memory_space<vmem>>, vector<400x128xf32>
    %get3A_142 = arith.constant 0 : index
    %get3A_143 = arith.constant 512 : index
    %get3A_144 = vector.load %arg4[%get3A_142, %get3A_143] : memref<400x2048xf32, #tpu.memory_space<vmem>>, vector<400x128xf32>
    %slice3A_145 = vector.extract_strided_slice %dot_general3A_16 {offsets = [0, 0], sizes = [400, 128], strides = [1, 1]} : vector<400x384xf32> to vector<400x128xf32>
    %mul3A_146 = arith.mulf %get3A_138, %slice3A_145 : vector<400x128xf32>
    %slice3A_147 = vector.extract_strided_slice %dot_general3A_16 {offsets = [0, 128], sizes = [400, 128], strides = [1, 1]} : vector<400x384xf32> to vector<400x128xf32>
    %mul3A_148 = arith.mulf %get3A_141, %slice3A_147 : vector<400x128xf32>
    %add3A_149 = arith.addf %mul3A_146, %mul3A_148 : vector<400x128xf32>
    %slice3A_150 = vector.extract_strided_slice %dot_general3A_16 {offsets = [0, 256], sizes = [400, 128], strides = [1, 1]} : vector<400x384xf32> to vector<400x128xf32>
    %mul3A_151 = arith.mulf %get3A_144, %slice3A_150 : vector<400x128xf32>
    %add3A_152 = arith.addf %add3A_149, %mul3A_151 : vector<400x128xf32>
    %slice3A_153 = vector.extract_strided_slice %dot_general3A_22 {offsets = [0, 0], sizes = [400, 128], strides = [1, 1]} : vector<400x384xf32> to vector<400x128xf32>
    %mul3A_154 = arith.mulf %get3A_138, %slice3A_153 : vector<400x128xf32>
    %slice3A_155 = vector.extract_strided_slice %dot_general3A_22 {offsets = [0, 128], sizes = [400, 128], strides = [1, 1]} : vector<400x384xf32> to vector<400x128xf32>
    %mul3A_156 = arith.mulf %get3A_141, %slice3A_155 : vector<400x128xf32>
    %add3A_157 = arith.addf %mul3A_154, %mul3A_156 : vector<400x128xf32>
    %slice3A_158 = vector.extract_strided_slice %dot_general3A_22 {offsets = [0, 256], sizes = [400, 128], strides = [1, 1]} : vector<400x384xf32> to vector<400x128xf32>
    %mul3A_159 = arith.mulf %get3A_144, %slice3A_158 : vector<400x128xf32>
    %add3A_160 = arith.addf %add3A_157, %mul3A_159 : vector<400x128xf32>
    %get3A_161 = arith.constant 0 : index
    %get3A_162 = arith.constant 640 : index
    %get3A_163 = vector.load %arg2[%get3A_161, %get3A_162] : memref<400x2048xf32, #tpu.memory_space<vmem>>, vector<400x128xf32>
    %get3A_164 = arith.constant 0 : index
    %get3A_165 = arith.constant 640 : index
    %get3A_166 = vector.load %arg3[%get3A_164, %get3A_165] : memref<400x2048xf32, #tpu.memory_space<vmem>>, vector<400x128xf32>
    %get3A_167 = arith.constant 0 : index
    %get3A_168 = arith.constant 640 : index
    %get3A_169 = vector.load %arg4[%get3A_167, %get3A_168] : memref<400x2048xf32, #tpu.memory_space<vmem>>, vector<400x128xf32>
    %slice3A_170 = vector.extract_strided_slice %dot_general3A_16 {offsets = [0, 0], sizes = [400, 128], strides = [1, 1]} : vector<400x384xf32> to vector<400x128xf32>
    %mul3A_171 = arith.mulf %get3A_163, %slice3A_170 : vector<400x128xf32>
    %slice3A_172 = vector.extract_strided_slice %dot_general3A_16 {offsets = [0, 128], sizes = [400, 128], strides = [1, 1]} : vector<400x384xf32> to vector<400x128xf32>
    %mul3A_173 = arith.mulf %get3A_166, %slice3A_172 : vector<400x128xf32>
    %add3A_174 = arith.addf %mul3A_171, %mul3A_173 : vector<400x128xf32>
    %slice3A_175 = vector.extract_strided_slice %dot_general3A_16 {offsets = [0, 256], sizes = [400, 128], strides = [1, 1]} : vector<400x384xf32> to vector<400x128xf32>
    %mul3A_176 = arith.mulf %get3A_169, %slice3A_175 : vector<400x128xf32>
    %add3A_177 = arith.addf %add3A_174, %mul3A_176 : vector<400x128xf32>
    %slice3A_178 = vector.extract_strided_slice %dot_general3A_22 {offsets = [0, 0], sizes = [400, 128], strides = [1, 1]} : vector<400x384xf32> to vector<400x128xf32>
    %mul3A_179 = arith.mulf %get3A_163, %slice3A_178 : vector<400x128xf32>
    %slice3A_180 = vector.extract_strided_slice %dot_general3A_22 {offsets = [0, 128], sizes = [400, 128], strides = [1, 1]} : vector<400x384xf32> to vector<400x128xf32>
    %mul3A_181 = arith.mulf %get3A_166, %slice3A_180 : vector<400x128xf32>
    %add3A_182 = arith.addf %mul3A_179, %mul3A_181 : vector<400x128xf32>
    %slice3A_183 = vector.extract_strided_slice %dot_general3A_22 {offsets = [0, 256], sizes = [400, 128], strides = [1, 1]} : vector<400x384xf32> to vector<400x128xf32>
    %mul3A_184 = arith.mulf %get3A_169, %slice3A_183 : vector<400x128xf32>
    %add3A_185 = arith.addf %add3A_182, %mul3A_184 : vector<400x128xf32>
    %get3A_186 = arith.constant 0 : index
    %get3A_187 = arith.constant 768 : index
    %get3A_188 = vector.load %arg2[%get3A_186, %get3A_187] : memref<400x2048xf32, #tpu.memory_space<vmem>>, vector<400x128xf32>
    %get3A_189 = arith.constant 0 : index
    %get3A_190 = arith.constant 768 : index
    %get3A_191 = vector.load %arg3[%get3A_189, %get3A_190] : memref<400x2048xf32, #tpu.memory_space<vmem>>, vector<400x128xf32>
    %get3A_192 = arith.constant 0 : index
    %get3A_193 = arith.constant 768 : index
    %get3A_194 = vector.load %arg4[%get3A_192, %get3A_193] : memref<400x2048xf32, #tpu.memory_space<vmem>>, vector<400x128xf32>
    %slice3A_195 = vector.extract_strided_slice %dot_general3A_16 {offsets = [0, 0], sizes = [400, 128], strides = [1, 1]} : vector<400x384xf32> to vector<400x128xf32>
    %mul3A_196 = arith.mulf %get3A_188, %slice3A_195 : vector<400x128xf32>
    %slice3A_197 = vector.extract_strided_slice %dot_general3A_16 {offsets = [0, 128], sizes = [400, 128], strides = [1, 1]} : vector<400x384xf32> to vector<400x128xf32>
    %mul3A_198 = arith.mulf %get3A_191, %slice3A_197 : vector<400x128xf32>
    %add3A_199 = arith.addf %mul3A_196, %mul3A_198 : vector<400x128xf32>
    %slice3A_200 = vector.extract_strided_slice %dot_general3A_16 {offsets = [0, 256], sizes = [400, 128], strides = [1, 1]} : vector<400x384xf32> to vector<400x128xf32>
    %mul3A_201 = arith.mulf %get3A_194, %slice3A_200 : vector<400x128xf32>
    %add3A_202 = arith.addf %add3A_199, %mul3A_201 : vector<400x128xf32>
    %slice3A_203 = vector.extract_strided_slice %dot_general3A_22 {offsets = [0, 0], sizes = [400, 128], strides = [1, 1]} : vector<400x384xf32> to vector<400x128xf32>
    %mul3A_204 = arith.mulf %get3A_188, %slice3A_203 : vector<400x128xf32>
    %slice3A_205 = vector.extract_strided_slice %dot_general3A_22 {offsets = [0, 128], sizes = [400, 128], strides = [1, 1]} : vector<400x384xf32> to vector<400x128xf32>
    %mul3A_206 = arith.mulf %get3A_191, %slice3A_205 : vector<400x128xf32>
    %add3A_207 = arith.addf %mul3A_204, %mul3A_206 : vector<400x128xf32>
    %slice3A_208 = vector.extract_strided_slice %dot_general3A_22 {offsets = [0, 256], sizes = [400, 128], strides = [1, 1]} : vector<400x384xf32> to vector<400x128xf32>
    %mul3A_209 = arith.mulf %get3A_194, %slice3A_208 : vector<400x128xf32>
    %add3A_210 = arith.addf %add3A_207, %mul3A_209 : vector<400x128xf32>
    %get3A_211 = arith.constant 0 : index
    %get3A_212 = arith.constant 896 : index
    %get3A_213 = vector.load %arg2[%get3A_211, %get3A_212] : memref<400x2048xf32, #tpu.memory_space<vmem>>, vector<400x128xf32>
    %get3A_214 = arith.constant 0 : index
    %get3A_215 = arith.constant 896 : index
    %get3A_216 = vector.load %arg3[%get3A_214, %get3A_215] : memref<400x2048xf32, #tpu.memory_space<vmem>>, vector<400x128xf32>
    %get3A_217 = arith.constant 0 : index
    %get3A_218 = arith.constant 896 : index
    %get3A_219 = vector.load %arg4[%get3A_217, %get3A_218] : memref<400x2048xf32, #tpu.memory_space<vmem>>, vector<400x128xf32>
    %slice3A_220 = vector.extract_strided_slice %dot_general3A_16 {offsets = [0, 0], sizes = [400, 128], strides = [1, 1]} : vector<400x384xf32> to vector<400x128xf32>
    %mul3A_221 = arith.mulf %get3A_213, %slice3A_220 : vector<400x128xf32>
    %slice3A_222 = vector.extract_strided_slice %dot_general3A_16 {offsets = [0, 128], sizes = [400, 128], strides = [1, 1]} : vector<400x384xf32> to vector<400x128xf32>
    %mul3A_223 = arith.mulf %get3A_216, %slice3A_222 : vector<400x128xf32>
    %add3A_224 = arith.addf %mul3A_221, %mul3A_223 : vector<400x128xf32>
    %slice3A_225 = vector.extract_strided_slice %dot_general3A_16 {offsets = [0, 256], sizes = [400, 128], strides = [1, 1]} : vector<400x384xf32> to vector<400x128xf32>
    %mul3A_226 = arith.mulf %get3A_219, %slice3A_225 : vector<400x128xf32>
    %add3A_227 = arith.addf %add3A_224, %mul3A_226 : vector<400x128xf32>
    %slice3A_228 = vector.extract_strided_slice %dot_general3A_22 {offsets = [0, 0], sizes = [400, 128], strides = [1, 1]} : vector<400x384xf32> to vector<400x128xf32>
    %mul3A_229 = arith.mulf %get3A_213, %slice3A_228 : vector<400x128xf32>
    %slice3A_230 = vector.extract_strided_slice %dot_general3A_22 {offsets = [0, 128], sizes = [400, 128], strides = [1, 1]} : vector<400x384xf32> to vector<400x128xf32>
    %mul3A_231 = arith.mulf %get3A_216, %slice3A_230 : vector<400x128xf32>
    %add3A_232 = arith.addf %mul3A_229, %mul3A_231 : vector<400x128xf32>
    %slice3A_233 = vector.extract_strided_slice %dot_general3A_22 {offsets = [0, 256], sizes = [400, 128], strides = [1, 1]} : vector<400x384xf32> to vector<400x128xf32>
    %mul3A_234 = arith.mulf %get3A_219, %slice3A_233 : vector<400x128xf32>
    %add3A_235 = arith.addf %add3A_232, %mul3A_234 : vector<400x128xf32>
    %get3A_236 = arith.constant 512 : index
    %get3A_237 = arith.constant 0 : index
    %get3A_238 = vector.load %arg5[%get3A_236, %get3A_237] : memref<2048x16xf32, #tpu.memory_space<vmem>>, vector<512x16xf32>
    %concatenate3A_239 = tpu.concatenate %add3A_152, %add3A_177, %add3A_202, %add3A_227 in 1 : vector<400x128xf32>, vector<400x128xf32>, vector<400x128xf32>, vector<400x128xf32> -> vector<400x512xf32>
    %dot_general3A_240 = arith.constant dense<0.000000e+00> : vector<400x16xf32>
    %dot_general3A_241 = tpu.matmul %concatenate3A_239, %get3A_238, %dot_general3A_240 {dimension_numbers = #tpu.dot_dimension_numbers<[1], [0], [0], [1], [0, 0, 1, 1], [], []>, transpose_lhs_hint = false} : vector<400x512xf32>, vector<512x16xf32>, vector<400x16xf32> -> vector<400x16xf32>
    %add3A_242 = arith.addf %add3A_131, %dot_general3A_241 : vector<400x16xf32>
    %concatenate3A_243 = tpu.concatenate %add3A_160, %add3A_185, %add3A_210, %add3A_235 in 1 : vector<400x128xf32>, vector<400x128xf32>, vector<400x128xf32>, vector<400x128xf32> -> vector<400x512xf32>
    %dot_general3A_244 = arith.constant dense<0.000000e+00> : vector<400x16xf32>
    %dot_general3A_245 = tpu.matmul %concatenate3A_243, %get3A_238, %dot_general3A_244 {dimension_numbers = #tpu.dot_dimension_numbers<[1], [0], [0], [1], [0, 0, 1, 1], [], []>, transpose_lhs_hint = false} : vector<400x512xf32>, vector<512x16xf32>, vector<400x16xf32> -> vector<400x16xf32>
    %add3A_246 = arith.addf %add3A_135, %dot_general3A_245 : vector<400x16xf32>
    %get3A_247 = arith.constant 0 : index
    %get3A_248 = arith.constant 1024 : index
    %get3A_249 = vector.load %arg2[%get3A_247, %get3A_248] : memref<400x2048xf32, #tpu.memory_space<vmem>>, vector<400x128xf32>
    %get3A_250 = arith.constant 0 : index
    %get3A_251 = arith.constant 1024 : index
    %get3A_252 = vector.load %arg3[%get3A_250, %get3A_251] : memref<400x2048xf32, #tpu.memory_space<vmem>>, vector<400x128xf32>
    %get3A_253 = arith.constant 0 : index
    %get3A_254 = arith.constant 1024 : index
    %get3A_255 = vector.load %arg4[%get3A_253, %get3A_254] : memref<400x2048xf32, #tpu.memory_space<vmem>>, vector<400x128xf32>
    %slice3A_256 = vector.extract_strided_slice %dot_general3A_16 {offsets = [0, 0], sizes = [400, 128], strides = [1, 1]} : vector<400x384xf32> to vector<400x128xf32>
    %mul3A_257 = arith.mulf %get3A_249, %slice3A_256 : vector<400x128xf32>
    %slice3A_258 = vector.extract_strided_slice %dot_general3A_16 {offsets = [0, 128], sizes = [400, 128], strides = [1, 1]} : vector<400x384xf32> to vector<400x128xf32>
    %mul3A_259 = arith.mulf %get3A_252, %slice3A_258 : vector<400x128xf32>
    %add3A_260 = arith.addf %mul3A_257, %mul3A_259 : vector<400x128xf32>
    %slice3A_261 = vector.extract_strided_slice %dot_general3A_16 {offsets = [0, 256], sizes = [400, 128], strides = [1, 1]} : vector<400x384xf32> to vector<400x128xf32>
    %mul3A_262 = arith.mulf %get3A_255, %slice3A_261 : vector<400x128xf32>
    %add3A_263 = arith.addf %add3A_260, %mul3A_262 : vector<400x128xf32>
    %slice3A_264 = vector.extract_strided_slice %dot_general3A_22 {offsets = [0, 0], sizes = [400, 128], strides = [1, 1]} : vector<400x384xf32> to vector<400x128xf32>
    %mul3A_265 = arith.mulf %get3A_249, %slice3A_264 : vector<400x128xf32>
    %slice3A_266 = vector.extract_strided_slice %dot_general3A_22 {offsets = [0, 128], sizes = [400, 128], strides = [1, 1]} : vector<400x384xf32> to vector<400x128xf32>
    %mul3A_267 = arith.mulf %get3A_252, %slice3A_266 : vector<400x128xf32>
    %add3A_268 = arith.addf %mul3A_265, %mul3A_267 : vector<400x128xf32>
    %slice3A_269 = vector.extract_strided_slice %dot_general3A_22 {offsets = [0, 256], sizes = [400, 128], strides = [1, 1]} : vector<400x384xf32> to vector<400x128xf32>
    %mul3A_270 = arith.mulf %get3A_255, %slice3A_269 : vector<400x128xf32>
    %add3A_271 = arith.addf %add3A_268, %mul3A_270 : vector<400x128xf32>
    %get3A_272 = arith.constant 0 : index
    %get3A_273 = arith.constant 1152 : index
    %get3A_274 = vector.load %arg2[%get3A_272, %get3A_273] : memref<400x2048xf32, #tpu.memory_space<vmem>>, vector<400x128xf32>
    %get3A_275 = arith.constant 0 : index
    %get3A_276 = arith.constant 1152 : index
    %get3A_277 = vector.load %arg3[%get3A_275, %get3A_276] : memref<400x2048xf32, #tpu.memory_space<vmem>>, vector<400x128xf32>
    %get3A_278 = arith.constant 0 : index
    %get3A_279 = arith.constant 1152 : index
    %get3A_280 = vector.load %arg4[%get3A_278, %get3A_279] : memref<400x2048xf32, #tpu.memory_space<vmem>>, vector<400x128xf32>
    %slice3A_281 = vector.extract_strided_slice %dot_general3A_16 {offsets = [0, 0], sizes = [400, 128], strides = [1, 1]} : vector<400x384xf32> to vector<400x128xf32>
    %mul3A_282 = arith.mulf %get3A_274, %slice3A_281 : vector<400x128xf32>
    %slice3A_283 = vector.extract_strided_slice %dot_general3A_16 {offsets = [0, 128], sizes = [400, 128], strides = [1, 1]} : vector<400x384xf32> to vector<400x128xf32>
    %mul3A_284 = arith.mulf %get3A_277, %slice3A_283 : vector<400x128xf32>
    %add3A_285 = arith.addf %mul3A_282, %mul3A_284 : vector<400x128xf32>
    %slice3A_286 = vector.extract_strided_slice %dot_general3A_16 {offsets = [0, 256], sizes = [400, 128], strides = [1, 1]} : vector<400x384xf32> to vector<400x128xf32>
    %mul3A_287 = arith.mulf %get3A_280, %slice3A_286 : vector<400x128xf32>
    %add3A_288 = arith.addf %add3A_285, %mul3A_287 : vector<400x128xf32>
    %slice3A_289 = vector.extract_strided_slice %dot_general3A_22 {offsets = [0, 0], sizes = [400, 128], strides = [1, 1]} : vector<400x384xf32> to vector<400x128xf32>
    %mul3A_290 = arith.mulf %get3A_274, %slice3A_289 : vector<400x128xf32>
    %slice3A_291 = vector.extract_strided_slice %dot_general3A_22 {offsets = [0, 128], sizes = [400, 128], strides = [1, 1]} : vector<400x384xf32> to vector<400x128xf32>
    %mul3A_292 = arith.mulf %get3A_277, %slice3A_291 : vector<400x128xf32>
    %add3A_293 = arith.addf %mul3A_290, %mul3A_292 : vector<400x128xf32>
    %slice3A_294 = vector.extract_strided_slice %dot_general3A_22 {offsets = [0, 256], sizes = [400, 128], strides = [1, 1]} : vector<400x384xf32> to vector<400x128xf32>
    %mul3A_295 = arith.mulf %get3A_280, %slice3A_294 : vector<400x128xf32>
    %add3A_296 = arith.addf %add3A_293, %mul3A_295 : vector<400x128xf32>
    %get3A_297 = arith.constant 0 : index
    %get3A_298 = arith.constant 1280 : index
    %get3A_299 = vector.load %arg2[%get3A_297, %get3A_298] : memref<400x2048xf32, #tpu.memory_space<vmem>>, vector<400x128xf32>
    %get3A_300 = arith.constant 0 : index
    %get3A_301 = arith.constant 1280 : index
    %get3A_302 = vector.load %arg3[%get3A_300, %get3A_301] : memref<400x2048xf32, #tpu.memory_space<vmem>>, vector<400x128xf32>
    %get3A_303 = arith.constant 0 : index
    %get3A_304 = arith.constant 1280 : index
    %get3A_305 = vector.load %arg4[%get3A_303, %get3A_304] : memref<400x2048xf32, #tpu.memory_space<vmem>>, vector<400x128xf32>
    %slice3A_306 = vector.extract_strided_slice %dot_general3A_16 {offsets = [0, 0], sizes = [400, 128], strides = [1, 1]} : vector<400x384xf32> to vector<400x128xf32>
    %mul3A_307 = arith.mulf %get3A_299, %slice3A_306 : vector<400x128xf32>
    %slice3A_308 = vector.extract_strided_slice %dot_general3A_16 {offsets = [0, 128], sizes = [400, 128], strides = [1, 1]} : vector<400x384xf32> to vector<400x128xf32>
    %mul3A_309 = arith.mulf %get3A_302, %slice3A_308 : vector<400x128xf32>
    %add3A_310 = arith.addf %mul3A_307, %mul3A_309 : vector<400x128xf32>
    %slice3A_311 = vector.extract_strided_slice %dot_general3A_16 {offsets = [0, 256], sizes = [400, 128], strides = [1, 1]} : vector<400x384xf32> to vector<400x128xf32>
    %mul3A_312 = arith.mulf %get3A_305, %slice3A_311 : vector<400x128xf32>
    %add3A_313 = arith.addf %add3A_310, %mul3A_312 : vector<400x128xf32>
    %slice3A_314 = vector.extract_strided_slice %dot_general3A_22 {offsets = [0, 0], sizes = [400, 128], strides = [1, 1]} : vector<400x384xf32> to vector<400x128xf32>
    %mul3A_315 = arith.mulf %get3A_299, %slice3A_314 : vector<400x128xf32>
    %slice3A_316 = vector.extract_strided_slice %dot_general3A_22 {offsets = [0, 128], sizes = [400, 128], strides = [1, 1]} : vector<400x384xf32> to vector<400x128xf32>
    %mul3A_317 = arith.mulf %get3A_302, %slice3A_316 : vector<400x128xf32>
    %add3A_318 = arith.addf %mul3A_315, %mul3A_317 : vector<400x128xf32>
    %slice3A_319 = vector.extract_strided_slice %dot_general3A_22 {offsets = [0, 256], sizes = [400, 128], strides = [1, 1]} : vector<400x384xf32> to vector<400x128xf32>
    %mul3A_320 = arith.mulf %get3A_305, %slice3A_319 : vector<400x128xf32>
    %add3A_321 = arith.addf %add3A_318, %mul3A_320 : vector<400x128xf32>
    %get3A_322 = arith.constant 0 : index
    %get3A_323 = arith.constant 1408 : index
    %get3A_324 = vector.load %arg2[%get3A_322, %get3A_323] : memref<400x2048xf32, #tpu.memory_space<vmem>>, vector<400x128xf32>
    %get3A_325 = arith.constant 0 : index
    %get3A_326 = arith.constant 1408 : index
    %get3A_327 = vector.load %arg3[%get3A_325, %get3A_326] : memref<400x2048xf32, #tpu.memory_space<vmem>>, vector<400x128xf32>
    %get3A_328 = arith.constant 0 : index
    %get3A_329 = arith.constant 1408 : index
    %get3A_330 = vector.load %arg4[%get3A_328, %get3A_329] : memref<400x2048xf32, #tpu.memory_space<vmem>>, vector<400x128xf32>
    %slice3A_331 = vector.extract_strided_slice %dot_general3A_16 {offsets = [0, 0], sizes = [400, 128], strides = [1, 1]} : vector<400x384xf32> to vector<400x128xf32>
    %mul3A_332 = arith.mulf %get3A_324, %slice3A_331 : vector<400x128xf32>
    %slice3A_333 = vector.extract_strided_slice %dot_general3A_16 {offsets = [0, 128], sizes = [400, 128], strides = [1, 1]} : vector<400x384xf32> to vector<400x128xf32>
    %mul3A_334 = arith.mulf %get3A_327, %slice3A_333 : vector<400x128xf32>
    %add3A_335 = arith.addf %mul3A_332, %mul3A_334 : vector<400x128xf32>
    %slice3A_336 = vector.extract_strided_slice %dot_general3A_16 {offsets = [0, 256], sizes = [400, 128], strides = [1, 1]} : vector<400x384xf32> to vector<400x128xf32>
    %mul3A_337 = arith.mulf %get3A_330, %slice3A_336 : vector<400x128xf32>
    %add3A_338 = arith.addf %add3A_335, %mul3A_337 : vector<400x128xf32>
    %slice3A_339 = vector.extract_strided_slice %dot_general3A_22 {offsets = [0, 0], sizes = [400, 128], strides = [1, 1]} : vector<400x384xf32> to vector<400x128xf32>
    %mul3A_340 = arith.mulf %get3A_324, %slice3A_339 : vector<400x128xf32>
    %slice3A_341 = vector.extract_strided_slice %dot_general3A_22 {offsets = [0, 128], sizes = [400, 128], strides = [1, 1]} : vector<400x384xf32> to vector<400x128xf32>
    %mul3A_342 = arith.mulf %get3A_327, %slice3A_341 : vector<400x128xf32>
    %add3A_343 = arith.addf %mul3A_340, %mul3A_342 : vector<400x128xf32>
    %slice3A_344 = vector.extract_strided_slice %dot_general3A_22 {offsets = [0, 256], sizes = [400, 128], strides = [1, 1]} : vector<400x384xf32> to vector<400x128xf32>
    %mul3A_345 = arith.mulf %get3A_330, %slice3A_344 : vector<400x128xf32>
    %add3A_346 = arith.addf %add3A_343, %mul3A_345 : vector<400x128xf32>
    %get3A_347 = arith.constant 1024 : index
    %get3A_348 = arith.constant 0 : index
    %get3A_349 = vector.load %arg5[%get3A_347, %get3A_348] : memref<2048x16xf32, #tpu.memory_space<vmem>>, vector<512x16xf32>
    %concatenate3A_350 = tpu.concatenate %add3A_263, %add3A_288, %add3A_313, %add3A_338 in 1 : vector<400x128xf32>, vector<400x128xf32>, vector<400x128xf32>, vector<400x128xf32> -> vector<400x512xf32>
    %dot_general3A_351 = arith.constant dense<0.000000e+00> : vector<400x16xf32>
    %dot_general3A_352 = tpu.matmul %concatenate3A_350, %get3A_349, %dot_general3A_351 {dimension_numbers = #tpu.dot_dimension_numbers<[1], [0], [0], [1], [0, 0, 1, 1], [], []>, transpose_lhs_hint = false} : vector<400x512xf32>, vector<512x16xf32>, vector<400x16xf32> -> vector<400x16xf32>
    %add3A_353 = arith.addf %add3A_242, %dot_general3A_352 : vector<400x16xf32>
    %concatenate3A_354 = tpu.concatenate %add3A_271, %add3A_296, %add3A_321, %add3A_346 in 1 : vector<400x128xf32>, vector<400x128xf32>, vector<400x128xf32>, vector<400x128xf32> -> vector<400x512xf32>
    %dot_general3A_355 = arith.constant dense<0.000000e+00> : vector<400x16xf32>
    %dot_general3A_356 = tpu.matmul %concatenate3A_354, %get3A_349, %dot_general3A_355 {dimension_numbers = #tpu.dot_dimension_numbers<[1], [0], [0], [1], [0, 0, 1, 1], [], []>, transpose_lhs_hint = false} : vector<400x512xf32>, vector<512x16xf32>, vector<400x16xf32> -> vector<400x16xf32>
    %add3A_357 = arith.addf %add3A_246, %dot_general3A_356 : vector<400x16xf32>
    %get3A_358 = arith.constant 0 : index
    %get3A_359 = arith.constant 1536 : index
    %get3A_360 = vector.load %arg2[%get3A_358, %get3A_359] : memref<400x2048xf32, #tpu.memory_space<vmem>>, vector<400x128xf32>
    %get3A_361 = arith.constant 0 : index
    %get3A_362 = arith.constant 1536 : index
    %get3A_363 = vector.load %arg3[%get3A_361, %get3A_362] : memref<400x2048xf32, #tpu.memory_space<vmem>>, vector<400x128xf32>
    %get3A_364 = arith.constant 0 : index
    %get3A_365 = arith.constant 1536 : index
    %get3A_366 = vector.load %arg4[%get3A_364, %get3A_365] : memref<400x2048xf32, #tpu.memory_space<vmem>>, vector<400x128xf32>
    %slice3A_367 = vector.extract_strided_slice %dot_general3A_16 {offsets = [0, 0], sizes = [400, 128], strides = [1, 1]} : vector<400x384xf32> to vector<400x128xf32>
    %mul3A_368 = arith.mulf %get3A_360, %slice3A_367 : vector<400x128xf32>
    %slice3A_369 = vector.extract_strided_slice %dot_general3A_16 {offsets = [0, 128], sizes = [400, 128], strides = [1, 1]} : vector<400x384xf32> to vector<400x128xf32>
    %mul3A_370 = arith.mulf %get3A_363, %slice3A_369 : vector<400x128xf32>
    %add3A_371 = arith.addf %mul3A_368, %mul3A_370 : vector<400x128xf32>
    %slice3A_372 = vector.extract_strided_slice %dot_general3A_16 {offsets = [0, 256], sizes = [400, 128], strides = [1, 1]} : vector<400x384xf32> to vector<400x128xf32>
    %mul3A_373 = arith.mulf %get3A_366, %slice3A_372 : vector<400x128xf32>
    %add3A_374 = arith.addf %add3A_371, %mul3A_373 : vector<400x128xf32>
    %slice3A_375 = vector.extract_strided_slice %dot_general3A_22 {offsets = [0, 0], sizes = [400, 128], strides = [1, 1]} : vector<400x384xf32> to vector<400x128xf32>
    %mul3A_376 = arith.mulf %get3A_360, %slice3A_375 : vector<400x128xf32>
    %slice3A_377 = vector.extract_strided_slice %dot_general3A_22 {offsets = [0, 128], sizes = [400, 128], strides = [1, 1]} : vector<400x384xf32> to vector<400x128xf32>
    %mul3A_378 = arith.mulf %get3A_363, %slice3A_377 : vector<400x128xf32>
    %add3A_379 = arith.addf %mul3A_376, %mul3A_378 : vector<400x128xf32>
    %slice3A_380 = vector.extract_strided_slice %dot_general3A_22 {offsets = [0, 256], sizes = [400, 128], strides = [1, 1]} : vector<400x384xf32> to vector<400x128xf32>
    %mul3A_381 = arith.mulf %get3A_366, %slice3A_380 : vector<400x128xf32>
    %add3A_382 = arith.addf %add3A_379, %mul3A_381 : vector<400x128xf32>
    %get3A_383 = arith.constant 0 : index
    %get3A_384 = arith.constant 1664 : index
    %get3A_385 = vector.load %arg2[%get3A_383, %get3A_384] : memref<400x2048xf32, #tpu.memory_space<vmem>>, vector<400x128xf32>
    %get3A_386 = arith.constant 0 : index
    %get3A_387 = arith.constant 1664 : index
    %get3A_388 = vector.load %arg3[%get3A_386, %get3A_387] : memref<400x2048xf32, #tpu.memory_space<vmem>>, vector<400x128xf32>
    %get3A_389 = arith.constant 0 : index
    %get3A_390 = arith.constant 1664 : index
    %get3A_391 = vector.load %arg4[%get3A_389, %get3A_390] : memref<400x2048xf32, #tpu.memory_space<vmem>>, vector<400x128xf32>
    %slice3A_392 = vector.extract_strided_slice %dot_general3A_16 {offsets = [0, 0], sizes = [400, 128], strides = [1, 1]} : vector<400x384xf32> to vector<400x128xf32>
    %mul3A_393 = arith.mulf %get3A_385, %slice3A_392 : vector<400x128xf32>
    %slice3A_394 = vector.extract_strided_slice %dot_general3A_16 {offsets = [0, 128], sizes = [400, 128], strides = [1, 1]} : vector<400x384xf32> to vector<400x128xf32>
    %mul3A_395 = arith.mulf %get3A_388, %slice3A_394 : vector<400x128xf32>
    %add3A_396 = arith.addf %mul3A_393, %mul3A_395 : vector<400x128xf32>
    %slice3A_397 = vector.extract_strided_slice %dot_general3A_16 {offsets = [0, 256], sizes = [400, 128], strides = [1, 1]} : vector<400x384xf32> to vector<400x128xf32>
    %mul3A_398 = arith.mulf %get3A_391, %slice3A_397 : vector<400x128xf32>
    %add3A_399 = arith.addf %add3A_396, %mul3A_398 : vector<400x128xf32>
    %slice3A_400 = vector.extract_strided_slice %dot_general3A_22 {offsets = [0, 0], sizes = [400, 128], strides = [1, 1]} : vector<400x384xf32> to vector<400x128xf32>
    %mul3A_401 = arith.mulf %get3A_385, %slice3A_400 : vector<400x128xf32>
    %slice3A_402 = vector.extract_strided_slice %dot_general3A_22 {offsets = [0, 128], sizes = [400, 128], strides = [1, 1]} : vector<400x384xf32> to vector<400x128xf32>
    %mul3A_403 = arith.mulf %get3A_388, %slice3A_402 : vector<400x128xf32>
    %add3A_404 = arith.addf %mul3A_401, %mul3A_403 : vector<400x128xf32>
    %slice3A_405 = vector.extract_strided_slice %dot_general3A_22 {offsets = [0, 256], sizes = [400, 128], strides = [1, 1]} : vector<400x384xf32> to vector<400x128xf32>
    %mul3A_406 = arith.mulf %get3A_391, %slice3A_405 : vector<400x128xf32>
    %add3A_407 = arith.addf %add3A_404, %mul3A_406 : vector<400x128xf32>
    %get3A_408 = arith.constant 0 : index
    %get3A_409 = arith.constant 1792 : index
    %get3A_410 = vector.load %arg2[%get3A_408, %get3A_409] : memref<400x2048xf32, #tpu.memory_space<vmem>>, vector<400x128xf32>
    %get3A_411 = arith.constant 0 : index
    %get3A_412 = arith.constant 1792 : index
    %get3A_413 = vector.load %arg3[%get3A_411, %get3A_412] : memref<400x2048xf32, #tpu.memory_space<vmem>>, vector<400x128xf32>
    %get3A_414 = arith.constant 0 : index
    %get3A_415 = arith.constant 1792 : index
    %get3A_416 = vector.load %arg4[%get3A_414, %get3A_415] : memref<400x2048xf32, #tpu.memory_space<vmem>>, vector<400x128xf32>
    %slice3A_417 = vector.extract_strided_slice %dot_general3A_16 {offsets = [0, 0], sizes = [400, 128], strides = [1, 1]} : vector<400x384xf32> to vector<400x128xf32>
    %mul3A_418 = arith.mulf %get3A_410, %slice3A_417 : vector<400x128xf32>
    %slice3A_419 = vector.extract_strided_slice %dot_general3A_16 {offsets = [0, 128], sizes = [400, 128], strides = [1, 1]} : vector<400x384xf32> to vector<400x128xf32>
    %mul3A_420 = arith.mulf %get3A_413, %slice3A_419 : vector<400x128xf32>
    %add3A_421 = arith.addf %mul3A_418, %mul3A_420 : vector<400x128xf32>
    %slice3A_422 = vector.extract_strided_slice %dot_general3A_16 {offsets = [0, 256], sizes = [400, 128], strides = [1, 1]} : vector<400x384xf32> to vector<400x128xf32>
    %mul3A_423 = arith.mulf %get3A_416, %slice3A_422 : vector<400x128xf32>
    %add3A_424 = arith.addf %add3A_421, %mul3A_423 : vector<400x128xf32>
    %slice3A_425 = vector.extract_strided_slice %dot_general3A_22 {offsets = [0, 0], sizes = [400, 128], strides = [1, 1]} : vector<400x384xf32> to vector<400x128xf32>
    %mul3A_426 = arith.mulf %get3A_410, %slice3A_425 : vector<400x128xf32>
    %slice3A_427 = vector.extract_strided_slice %dot_general3A_22 {offsets = [0, 128], sizes = [400, 128], strides = [1, 1]} : vector<400x384xf32> to vector<400x128xf32>
    %mul3A_428 = arith.mulf %get3A_413, %slice3A_427 : vector<400x128xf32>
    %add3A_429 = arith.addf %mul3A_426, %mul3A_428 : vector<400x128xf32>
    %slice3A_430 = vector.extract_strided_slice %dot_general3A_22 {offsets = [0, 256], sizes = [400, 128], strides = [1, 1]} : vector<400x384xf32> to vector<400x128xf32>
    %mul3A_431 = arith.mulf %get3A_416, %slice3A_430 : vector<400x128xf32>
    %add3A_432 = arith.addf %add3A_429, %mul3A_431 : vector<400x128xf32>
    %get3A_433 = arith.constant 0 : index
    %get3A_434 = arith.constant 1920 : index
    %get3A_435 = vector.load %arg2[%get3A_433, %get3A_434] : memref<400x2048xf32, #tpu.memory_space<vmem>>, vector<400x128xf32>
    %get3A_436 = arith.constant 0 : index
    %get3A_437 = arith.constant 1920 : index
    %get3A_438 = vector.load %arg3[%get3A_436, %get3A_437] : memref<400x2048xf32, #tpu.memory_space<vmem>>, vector<400x128xf32>
    %get3A_439 = arith.constant 0 : index
    %get3A_440 = arith.constant 1920 : index
    %get3A_441 = vector.load %arg4[%get3A_439, %get3A_440] : memref<400x2048xf32, #tpu.memory_space<vmem>>, vector<400x128xf32>
    %slice3A_442 = vector.extract_strided_slice %dot_general3A_16 {offsets = [0, 0], sizes = [400, 128], strides = [1, 1]} : vector<400x384xf32> to vector<400x128xf32>
    %mul3A_443 = arith.mulf %get3A_435, %slice3A_442 : vector<400x128xf32>
    %slice3A_444 = vector.extract_strided_slice %dot_general3A_16 {offsets = [0, 128], sizes = [400, 128], strides = [1, 1]} : vector<400x384xf32> to vector<400x128xf32>
    %mul3A_445 = arith.mulf %get3A_438, %slice3A_444 : vector<400x128xf32>
    %add3A_446 = arith.addf %mul3A_443, %mul3A_445 : vector<400x128xf32>
    %slice3A_447 = vector.extract_strided_slice %dot_general3A_16 {offsets = [0, 256], sizes = [400, 128], strides = [1, 1]} : vector<400x384xf32> to vector<400x128xf32>
    %mul3A_448 = arith.mulf %get3A_441, %slice3A_447 : vector<400x128xf32>
    %add3A_449 = arith.addf %add3A_446, %mul3A_448 : vector<400x128xf32>
    %slice3A_450 = vector.extract_strided_slice %dot_general3A_22 {offsets = [0, 0], sizes = [400, 128], strides = [1, 1]} : vector<400x384xf32> to vector<400x128xf32>
    %mul3A_451 = arith.mulf %get3A_435, %slice3A_450 : vector<400x128xf32>
    %slice3A_452 = vector.extract_strided_slice %dot_general3A_22 {offsets = [0, 128], sizes = [400, 128], strides = [1, 1]} : vector<400x384xf32> to vector<400x128xf32>
    %mul3A_453 = arith.mulf %get3A_438, %slice3A_452 : vector<400x128xf32>
    %add3A_454 = arith.addf %mul3A_451, %mul3A_453 : vector<400x128xf32>
    %slice3A_455 = vector.extract_strided_slice %dot_general3A_22 {offsets = [0, 256], sizes = [400, 128], strides = [1, 1]} : vector<400x384xf32> to vector<400x128xf32>
    %mul3A_456 = arith.mulf %get3A_441, %slice3A_455 : vector<400x128xf32>
    %add3A_457 = arith.addf %add3A_454, %mul3A_456 : vector<400x128xf32>
    %get3A_458 = arith.constant 1536 : index
    %get3A_459 = arith.constant 0 : index
    %get3A_460 = vector.load %arg5[%get3A_458, %get3A_459] : memref<2048x16xf32, #tpu.memory_space<vmem>>, vector<512x16xf32>
    %concatenate3A_461 = tpu.concatenate %add3A_374, %add3A_399, %add3A_424, %add3A_449 in 1 : vector<400x128xf32>, vector<400x128xf32>, vector<400x128xf32>, vector<400x128xf32> -> vector<400x512xf32>
    %dot_general3A_462 = arith.constant dense<0.000000e+00> : vector<400x16xf32>
    %dot_general3A_463 = tpu.matmul %concatenate3A_461, %get3A_460, %dot_general3A_462 {dimension_numbers = #tpu.dot_dimension_numbers<[1], [0], [0], [1], [0, 0, 1, 1], [], []>, transpose_lhs_hint = false} : vector<400x512xf32>, vector<512x16xf32>, vector<400x16xf32> -> vector<400x16xf32>
    %add3A_464 = arith.addf %add3A_353, %dot_general3A_463 : vector<400x16xf32>
    %concatenate3A_465 = tpu.concatenate %add3A_382, %add3A_407, %add3A_432, %add3A_457 in 1 : vector<400x128xf32>, vector<400x128xf32>, vector<400x128xf32>, vector<400x128xf32> -> vector<400x512xf32>
    %dot_general3A_466 = arith.constant dense<0.000000e+00> : vector<400x16xf32>
    %dot_general3A_467 = tpu.matmul %concatenate3A_465, %get3A_460, %dot_general3A_466 {dimension_numbers = #tpu.dot_dimension_numbers<[1], [0], [0], [1], [0, 0, 1, 1], [], []>, transpose_lhs_hint = false} : vector<400x512xf32>, vector<512x16xf32>, vector<400x16xf32> -> vector<400x16xf32>
    %add3A_468 = arith.addf %add3A_357, %dot_general3A_467 : vector<400x16xf32>
    %reduce_max3A = arith.constant dense<0xFF800000> : vector<400xf32>
    %reduce_max3A_469 = vector.multi_reduction <maximumf>, %add3A_464, %reduce_max3A [1] : vector<400x16xf32> to vector<400xf32>
    %broadcast_in_dim3A_470 = vector.shape_cast %reduce_max3A_469 : vector<400xf32> to vector<400x1xf32>
    %sub3A = vector.broadcast %broadcast_in_dim3A_470 : vector<400x1xf32> to vector<400x16xf32>
    %sub3A_471 = arith.subf %add3A_464, %sub3A : vector<400x16xf32>
    %exp3A = math.exp %sub3A_471 : vector<400x16xf32>
    %reduce_sum3A = arith.constant dense<0.000000e+00> : vector<400xf32>
    %reduce_sum3A_472 = vector.multi_reduction <add>, %exp3A, %reduce_sum3A [1] : vector<400x16xf32> to vector<400xf32>
    %broadcast_in_dim3A_473 = vector.shape_cast %reduce_sum3A_472 : vector<400xf32> to vector<400x1xf32>
    %div3A = vector.broadcast %broadcast_in_dim3A_473 : vector<400x1xf32> to vector<400x16xf32>
    %div3A_474 = arith.divf %exp3A, %div3A : vector<400x16xf32>
    %reduce_max3A_475 = arith.constant dense<0xFF800000> : vector<400xf32>
    %reduce_max3A_476 = vector.multi_reduction <maximumf>, %add3A_468, %reduce_max3A_475 [1] : vector<400x16xf32> to vector<400xf32>
    %broadcast_in_dim3A_477 = vector.shape_cast %reduce_max3A_476 : vector<400xf32> to vector<400x1xf32>
    %sub3A_478 = vector.broadcast %broadcast_in_dim3A_477 : vector<400x1xf32> to vector<400x16xf32>
    %sub3A_479 = arith.subf %add3A_468, %sub3A_478 : vector<400x16xf32>
    %exp3A_480 = math.exp %sub3A_479 : vector<400x16xf32>
    %reduce_sum3A_481 = arith.constant dense<0.000000e+00> : vector<400xf32>
    %reduce_sum3A_482 = vector.multi_reduction <add>, %exp3A_480, %reduce_sum3A_481 [1] : vector<400x16xf32> to vector<400xf32>
    %broadcast_in_dim3A_483 = vector.shape_cast %reduce_sum3A_482 : vector<400xf32> to vector<400x1xf32>
    %div3A_484 = vector.broadcast %broadcast_in_dim3A_483 : vector<400x1xf32> to vector<400x16xf32>
    %div3A_485 = arith.divf %exp3A_480, %div3A_484 : vector<400x16xf32>
    %broadcast_in_dim3A_486 = arith.constant 0.000000e+00 : f32
    %broadcast_in_dim3A_487 = vector.broadcast %broadcast_in_dim3A_486 : f32 to vector<400x128xf32>
    %broadcast_in_dim3A_488 = arith.constant 0.000000e+00 : f32
    %broadcast_in_dim3A_489 = vector.broadcast %broadcast_in_dim3A_488 : f32 to vector<400x128xf32>
    %broadcast_in_dim3A_490 = arith.constant 0.000000e+00 : f32
    %broadcast_in_dim3A_491 = vector.broadcast %broadcast_in_dim3A_490 : f32 to vector<400x128xf32>
    %broadcast_in_dim3A_492 = arith.constant 0.000000e+00 : f32
    %broadcast_in_dim3A_493 = vector.broadcast %broadcast_in_dim3A_492 : f32 to vector<400x128xf32>
    %broadcast_in_dim3A_494 = arith.constant 0.000000e+00 : f32
    %broadcast_in_dim3A_495 = vector.broadcast %broadcast_in_dim3A_494 : f32 to vector<400x128xf32>
    %broadcast_in_dim3A_496 = arith.constant 0.000000e+00 : f32
    %broadcast_in_dim3A_497 = vector.broadcast %broadcast_in_dim3A_496 : f32 to vector<400x128xf32>
    %get3A_498 = arith.constant 0 : index
    %get3A_499 = arith.constant 0 : index
    %get3A_500 = vector.load %arg2[%get3A_498, %get3A_499] : memref<400x2048xf32, #tpu.memory_space<vmem>>, vector<400x128xf32>
    %get3A_501 = arith.constant 0 : index
    %get3A_502 = arith.constant 0 : index
    %get3A_503 = vector.load %arg3[%get3A_501, %get3A_502] : memref<400x2048xf32, #tpu.memory_space<vmem>>, vector<400x128xf32>
    %get3A_504 = arith.constant 0 : index
    %get3A_505 = arith.constant 0 : index
    %get3A_506 = vector.load %arg4[%get3A_504, %get3A_505] : memref<400x2048xf32, #tpu.memory_space<vmem>>, vector<400x128xf32>
    %slice3A_507 = vector.extract_strided_slice %div3A_474 {offsets = [0, 0], sizes = [400, 1], strides = [1, 1]} : vector<400x16xf32> to vector<400x1xf32>
    %mul3A_508 = vector.broadcast %slice3A_507 : vector<400x1xf32> to vector<400x128xf32>
    %mul3A_509 = arith.mulf %get3A_500, %mul3A_508 : vector<400x128xf32>
    %add3A_510 = arith.addf %broadcast_in_dim3A_487, %mul3A_509 : vector<400x128xf32>
    %mul3A_511 = vector.broadcast %slice3A_507 : vector<400x1xf32> to vector<400x128xf32>
    %mul3A_512 = arith.mulf %get3A_503, %mul3A_511 : vector<400x128xf32>
    %add3A_513 = arith.addf %broadcast_in_dim3A_489, %mul3A_512 : vector<400x128xf32>
    %mul3A_514 = vector.broadcast %slice3A_507 : vector<400x1xf32> to vector<400x128xf32>
    %mul3A_515 = arith.mulf %get3A_506, %mul3A_514 : vector<400x128xf32>
    %add3A_516 = arith.addf %broadcast_in_dim3A_491, %mul3A_515 : vector<400x128xf32>
    %slice3A_517 = vector.extract_strided_slice %div3A_485 {offsets = [0, 0], sizes = [400, 1], strides = [1, 1]} : vector<400x16xf32> to vector<400x1xf32>
    %mul3A_518 = vector.broadcast %slice3A_517 : vector<400x1xf32> to vector<400x128xf32>
    %mul3A_519 = arith.mulf %get3A_500, %mul3A_518 : vector<400x128xf32>
    %add3A_520 = arith.addf %broadcast_in_dim3A_493, %mul3A_519 : vector<400x128xf32>
    %mul3A_521 = vector.broadcast %slice3A_517 : vector<400x1xf32> to vector<400x128xf32>
    %mul3A_522 = arith.mulf %get3A_503, %mul3A_521 : vector<400x128xf32>
    %add3A_523 = arith.addf %broadcast_in_dim3A_495, %mul3A_522 : vector<400x128xf32>
    %mul3A_524 = vector.broadcast %slice3A_517 : vector<400x1xf32> to vector<400x128xf32>
    %mul3A_525 = arith.mulf %get3A_506, %mul3A_524 : vector<400x128xf32>
    %add3A_526 = arith.addf %broadcast_in_dim3A_497, %mul3A_525 : vector<400x128xf32>
    %get3A_527 = arith.constant 0 : index
    %get3A_528 = arith.constant 128 : index
    %get3A_529 = vector.load %arg2[%get3A_527, %get3A_528] : memref<400x2048xf32, #tpu.memory_space<vmem>>, vector<400x128xf32>
    %get3A_530 = arith.constant 0 : index
    %get3A_531 = arith.constant 128 : index
    %get3A_532 = vector.load %arg3[%get3A_530, %get3A_531] : memref<400x2048xf32, #tpu.memory_space<vmem>>, vector<400x128xf32>
    %get3A_533 = arith.constant 0 : index
    %get3A_534 = arith.constant 128 : index
    %get3A_535 = vector.load %arg4[%get3A_533, %get3A_534] : memref<400x2048xf32, #tpu.memory_space<vmem>>, vector<400x128xf32>
    %slice3A_536 = vector.extract_strided_slice %div3A_474 {offsets = [0, 1], sizes = [400, 1], strides = [1, 1]} : vector<400x16xf32> to vector<400x1xf32>
    %mul3A_537 = vector.broadcast %slice3A_536 : vector<400x1xf32> to vector<400x128xf32>
    %mul3A_538 = arith.mulf %get3A_529, %mul3A_537 : vector<400x128xf32>
    %add3A_539 = arith.addf %add3A_510, %mul3A_538 : vector<400x128xf32>
    %mul3A_540 = vector.broadcast %slice3A_536 : vector<400x1xf32> to vector<400x128xf32>
    %mul3A_541 = arith.mulf %get3A_532, %mul3A_540 : vector<400x128xf32>
    %add3A_542 = arith.addf %add3A_513, %mul3A_541 : vector<400x128xf32>
    %mul3A_543 = vector.broadcast %slice3A_536 : vector<400x1xf32> to vector<400x128xf32>
    %mul3A_544 = arith.mulf %get3A_535, %mul3A_543 : vector<400x128xf32>
    %add3A_545 = arith.addf %add3A_516, %mul3A_544 : vector<400x128xf32>
    %slice3A_546 = vector.extract_strided_slice %div3A_485 {offsets = [0, 1], sizes = [400, 1], strides = [1, 1]} : vector<400x16xf32> to vector<400x1xf32>
    %mul3A_547 = vector.broadcast %slice3A_546 : vector<400x1xf32> to vector<400x128xf32>
    %mul3A_548 = arith.mulf %get3A_529, %mul3A_547 : vector<400x128xf32>
    %add3A_549 = arith.addf %add3A_520, %mul3A_548 : vector<400x128xf32>
    %mul3A_550 = vector.broadcast %slice3A_546 : vector<400x1xf32> to vector<400x128xf32>
    %mul3A_551 = arith.mulf %get3A_532, %mul3A_550 : vector<400x128xf32>
    %add3A_552 = arith.addf %add3A_523, %mul3A_551 : vector<400x128xf32>
    %mul3A_553 = vector.broadcast %slice3A_546 : vector<400x1xf32> to vector<400x128xf32>
    %mul3A_554 = arith.mulf %get3A_535, %mul3A_553 : vector<400x128xf32>
    %add3A_555 = arith.addf %add3A_526, %mul3A_554 : vector<400x128xf32>
    %get3A_556 = arith.constant 0 : index
    %get3A_557 = arith.constant 256 : index
    %get3A_558 = vector.load %arg2[%get3A_556, %get3A_557] : memref<400x2048xf32, #tpu.memory_space<vmem>>, vector<400x128xf32>
    %get3A_559 = arith.constant 0 : index
    %get3A_560 = arith.constant 256 : index
    %get3A_561 = vector.load %arg3[%get3A_559, %get3A_560] : memref<400x2048xf32, #tpu.memory_space<vmem>>, vector<400x128xf32>
    %get3A_562 = arith.constant 0 : index
    %get3A_563 = arith.constant 256 : index
    %get3A_564 = vector.load %arg4[%get3A_562, %get3A_563] : memref<400x2048xf32, #tpu.memory_space<vmem>>, vector<400x128xf32>
    %slice3A_565 = vector.extract_strided_slice %div3A_474 {offsets = [0, 2], sizes = [400, 1], strides = [1, 1]} : vector<400x16xf32> to vector<400x1xf32>
    %mul3A_566 = vector.broadcast %slice3A_565 : vector<400x1xf32> to vector<400x128xf32>
    %mul3A_567 = arith.mulf %get3A_558, %mul3A_566 : vector<400x128xf32>
    %add3A_568 = arith.addf %add3A_539, %mul3A_567 : vector<400x128xf32>
    %mul3A_569 = vector.broadcast %slice3A_565 : vector<400x1xf32> to vector<400x128xf32>
    %mul3A_570 = arith.mulf %get3A_561, %mul3A_569 : vector<400x128xf32>
    %add3A_571 = arith.addf %add3A_542, %mul3A_570 : vector<400x128xf32>
    %mul3A_572 = vector.broadcast %slice3A_565 : vector<400x1xf32> to vector<400x128xf32>
    %mul3A_573 = arith.mulf %get3A_564, %mul3A_572 : vector<400x128xf32>
    %add3A_574 = arith.addf %add3A_545, %mul3A_573 : vector<400x128xf32>
    %slice3A_575 = vector.extract_strided_slice %div3A_485 {offsets = [0, 2], sizes = [400, 1], strides = [1, 1]} : vector<400x16xf32> to vector<400x1xf32>
    %mul3A_576 = vector.broadcast %slice3A_575 : vector<400x1xf32> to vector<400x128xf32>
    %mul3A_577 = arith.mulf %get3A_558, %mul3A_576 : vector<400x128xf32>
    %add3A_578 = arith.addf %add3A_549, %mul3A_577 : vector<400x128xf32>
    %mul3A_579 = vector.broadcast %slice3A_575 : vector<400x1xf32> to vector<400x128xf32>
    %mul3A_580 = arith.mulf %get3A_561, %mul3A_579 : vector<400x128xf32>
    %add3A_581 = arith.addf %add3A_552, %mul3A_580 : vector<400x128xf32>
    %mul3A_582 = vector.broadcast %slice3A_575 : vector<400x1xf32> to vector<400x128xf32>
    %mul3A_583 = arith.mulf %get3A_564, %mul3A_582 : vector<400x128xf32>
    %add3A_584 = arith.addf %add3A_555, %mul3A_583 : vector<400x128xf32>
    %get3A_585 = arith.constant 0 : index
    %get3A_586 = arith.constant 384 : index
    %get3A_587 = vector.load %arg2[%get3A_585, %get3A_586] : memref<400x2048xf32, #tpu.memory_space<vmem>>, vector<400x128xf32>
    %get3A_588 = arith.constant 0 : index
    %get3A_589 = arith.constant 384 : index
    %get3A_590 = vector.load %arg3[%get3A_588, %get3A_589] : memref<400x2048xf32, #tpu.memory_space<vmem>>, vector<400x128xf32>
    %get3A_591 = arith.constant 0 : index
    %get3A_592 = arith.constant 384 : index
    %get3A_593 = vector.load %arg4[%get3A_591, %get3A_592] : memref<400x2048xf32, #tpu.memory_space<vmem>>, vector<400x128xf32>
    %slice3A_594 = vector.extract_strided_slice %div3A_474 {offsets = [0, 3], sizes = [400, 1], strides = [1, 1]} : vector<400x16xf32> to vector<400x1xf32>
    %mul3A_595 = vector.broadcast %slice3A_594 : vector<400x1xf32> to vector<400x128xf32>
    %mul3A_596 = arith.mulf %get3A_587, %mul3A_595 : vector<400x128xf32>
    %add3A_597 = arith.addf %add3A_568, %mul3A_596 : vector<400x128xf32>
    %mul3A_598 = vector.broadcast %slice3A_594 : vector<400x1xf32> to vector<400x128xf32>
    %mul3A_599 = arith.mulf %get3A_590, %mul3A_598 : vector<400x128xf32>
    %add3A_600 = arith.addf %add3A_571, %mul3A_599 : vector<400x128xf32>
    %mul3A_601 = vector.broadcast %slice3A_594 : vector<400x1xf32> to vector<400x128xf32>
    %mul3A_602 = arith.mulf %get3A_593, %mul3A_601 : vector<400x128xf32>
    %add3A_603 = arith.addf %add3A_574, %mul3A_602 : vector<400x128xf32>
    %slice3A_604 = vector.extract_strided_slice %div3A_485 {offsets = [0, 3], sizes = [400, 1], strides = [1, 1]} : vector<400x16xf32> to vector<400x1xf32>
    %mul3A_605 = vector.broadcast %slice3A_604 : vector<400x1xf32> to vector<400x128xf32>
    %mul3A_606 = arith.mulf %get3A_587, %mul3A_605 : vector<400x128xf32>
    %add3A_607 = arith.addf %add3A_578, %mul3A_606 : vector<400x128xf32>
    %mul3A_608 = vector.broadcast %slice3A_604 : vector<400x1xf32> to vector<400x128xf32>
    %mul3A_609 = arith.mulf %get3A_590, %mul3A_608 : vector<400x128xf32>
    %add3A_610 = arith.addf %add3A_581, %mul3A_609 : vector<400x128xf32>
    %mul3A_611 = vector.broadcast %slice3A_604 : vector<400x1xf32> to vector<400x128xf32>
    %mul3A_612 = arith.mulf %get3A_593, %mul3A_611 : vector<400x128xf32>
    %add3A_613 = arith.addf %add3A_584, %mul3A_612 : vector<400x128xf32>
    %get3A_614 = arith.constant 0 : index
    %get3A_615 = arith.constant 512 : index
    %get3A_616 = vector.load %arg2[%get3A_614, %get3A_615] : memref<400x2048xf32, #tpu.memory_space<vmem>>, vector<400x128xf32>
    %get3A_617 = arith.constant 0 : index
    %get3A_618 = arith.constant 512 : index
    %get3A_619 = vector.load %arg3[%get3A_617, %get3A_618] : memref<400x2048xf32, #tpu.memory_space<vmem>>, vector<400x128xf32>
    %get3A_620 = arith.constant 0 : index
    %get3A_621 = arith.constant 512 : index
    %get3A_622 = vector.load %arg4[%get3A_620, %get3A_621] : memref<400x2048xf32, #tpu.memory_space<vmem>>, vector<400x128xf32>
    %slice3A_623 = vector.extract_strided_slice %div3A_474 {offsets = [0, 4], sizes = [400, 1], strides = [1, 1]} : vector<400x16xf32> to vector<400x1xf32>
    %mul3A_624 = vector.broadcast %slice3A_623 : vector<400x1xf32> to vector<400x128xf32>
    %mul3A_625 = arith.mulf %get3A_616, %mul3A_624 : vector<400x128xf32>
    %add3A_626 = arith.addf %add3A_597, %mul3A_625 : vector<400x128xf32>
    %mul3A_627 = vector.broadcast %slice3A_623 : vector<400x1xf32> to vector<400x128xf32>
    %mul3A_628 = arith.mulf %get3A_619, %mul3A_627 : vector<400x128xf32>
    %add3A_629 = arith.addf %add3A_600, %mul3A_628 : vector<400x128xf32>
    %mul3A_630 = vector.broadcast %slice3A_623 : vector<400x1xf32> to vector<400x128xf32>
    %mul3A_631 = arith.mulf %get3A_622, %mul3A_630 : vector<400x128xf32>
    %add3A_632 = arith.addf %add3A_603, %mul3A_631 : vector<400x128xf32>
    %slice3A_633 = vector.extract_strided_slice %div3A_485 {offsets = [0, 4], sizes = [400, 1], strides = [1, 1]} : vector<400x16xf32> to vector<400x1xf32>
    %mul3A_634 = vector.broadcast %slice3A_633 : vector<400x1xf32> to vector<400x128xf32>
    %mul3A_635 = arith.mulf %get3A_616, %mul3A_634 : vector<400x128xf32>
    %add3A_636 = arith.addf %add3A_607, %mul3A_635 : vector<400x128xf32>
    %mul3A_637 = vector.broadcast %slice3A_633 : vector<400x1xf32> to vector<400x128xf32>
    %mul3A_638 = arith.mulf %get3A_619, %mul3A_637 : vector<400x128xf32>
    %add3A_639 = arith.addf %add3A_610, %mul3A_638 : vector<400x128xf32>
    %mul3A_640 = vector.broadcast %slice3A_633 : vector<400x1xf32> to vector<400x128xf32>
    %mul3A_641 = arith.mulf %get3A_622, %mul3A_640 : vector<400x128xf32>
    %add3A_642 = arith.addf %add3A_613, %mul3A_641 : vector<400x128xf32>
    %get3A_643 = arith.constant 0 : index
    %get3A_644 = arith.constant 640 : index
    %get3A_645 = vector.load %arg2[%get3A_643, %get3A_644] : memref<400x2048xf32, #tpu.memory_space<vmem>>, vector<400x128xf32>
    %get3A_646 = arith.constant 0 : index
    %get3A_647 = arith.constant 640 : index
    %get3A_648 = vector.load %arg3[%get3A_646, %get3A_647] : memref<400x2048xf32, #tpu.memory_space<vmem>>, vector<400x128xf32>
    %get3A_649 = arith.constant 0 : index
    %get3A_650 = arith.constant 640 : index
    %get3A_651 = vector.load %arg4[%get3A_649, %get3A_650] : memref<400x2048xf32, #tpu.memory_space<vmem>>, vector<400x128xf32>
    %slice3A_652 = vector.extract_strided_slice %div3A_474 {offsets = [0, 5], sizes = [400, 1], strides = [1, 1]} : vector<400x16xf32> to vector<400x1xf32>
    %mul3A_653 = vector.broadcast %slice3A_652 : vector<400x1xf32> to vector<400x128xf32>
    %mul3A_654 = arith.mulf %get3A_645, %mul3A_653 : vector<400x128xf32>
    %add3A_655 = arith.addf %add3A_626, %mul3A_654 : vector<400x128xf32>
    %mul3A_656 = vector.broadcast %slice3A_652 : vector<400x1xf32> to vector<400x128xf32>
    %mul3A_657 = arith.mulf %get3A_648, %mul3A_656 : vector<400x128xf32>
    %add3A_658 = arith.addf %add3A_629, %mul3A_657 : vector<400x128xf32>
    %mul3A_659 = vector.broadcast %slice3A_652 : vector<400x1xf32> to vector<400x128xf32>
    %mul3A_660 = arith.mulf %get3A_651, %mul3A_659 : vector<400x128xf32>
    %add3A_661 = arith.addf %add3A_632, %mul3A_660 : vector<400x128xf32>
    %slice3A_662 = vector.extract_strided_slice %div3A_485 {offsets = [0, 5], sizes = [400, 1], strides = [1, 1]} : vector<400x16xf32> to vector<400x1xf32>
    %mul3A_663 = vector.broadcast %slice3A_662 : vector<400x1xf32> to vector<400x128xf32>
    %mul3A_664 = arith.mulf %get3A_645, %mul3A_663 : vector<400x128xf32>
    %add3A_665 = arith.addf %add3A_636, %mul3A_664 : vector<400x128xf32>
    %mul3A_666 = vector.broadcast %slice3A_662 : vector<400x1xf32> to vector<400x128xf32>
    %mul3A_667 = arith.mulf %get3A_648, %mul3A_666 : vector<400x128xf32>
    %add3A_668 = arith.addf %add3A_639, %mul3A_667 : vector<400x128xf32>
    %mul3A_669 = vector.broadcast %slice3A_662 : vector<400x1xf32> to vector<400x128xf32>
    %mul3A_670 = arith.mulf %get3A_651, %mul3A_669 : vector<400x128xf32>
    %add3A_671 = arith.addf %add3A_642, %mul3A_670 : vector<400x128xf32>
    %get3A_672 = arith.constant 0 : index
    %get3A_673 = arith.constant 768 : index
    %get3A_674 = vector.load %arg2[%get3A_672, %get3A_673] : memref<400x2048xf32, #tpu.memory_space<vmem>>, vector<400x128xf32>
    %get3A_675 = arith.constant 0 : index
    %get3A_676 = arith.constant 768 : index
    %get3A_677 = vector.load %arg3[%get3A_675, %get3A_676] : memref<400x2048xf32, #tpu.memory_space<vmem>>, vector<400x128xf32>
    %get3A_678 = arith.constant 0 : index
    %get3A_679 = arith.constant 768 : index
    %get3A_680 = vector.load %arg4[%get3A_678, %get3A_679] : memref<400x2048xf32, #tpu.memory_space<vmem>>, vector<400x128xf32>
    %slice3A_681 = vector.extract_strided_slice %div3A_474 {offsets = [0, 6], sizes = [400, 1], strides = [1, 1]} : vector<400x16xf32> to vector<400x1xf32>
    %mul3A_682 = vector.broadcast %slice3A_681 : vector<400x1xf32> to vector<400x128xf32>
    %mul3A_683 = arith.mulf %get3A_674, %mul3A_682 : vector<400x128xf32>
    %add3A_684 = arith.addf %add3A_655, %mul3A_683 : vector<400x128xf32>
    %mul3A_685 = vector.broadcast %slice3A_681 : vector<400x1xf32> to vector<400x128xf32>
    %mul3A_686 = arith.mulf %get3A_677, %mul3A_685 : vector<400x128xf32>
    %add3A_687 = arith.addf %add3A_658, %mul3A_686 : vector<400x128xf32>
    %mul3A_688 = vector.broadcast %slice3A_681 : vector<400x1xf32> to vector<400x128xf32>
    %mul3A_689 = arith.mulf %get3A_680, %mul3A_688 : vector<400x128xf32>
    %add3A_690 = arith.addf %add3A_661, %mul3A_689 : vector<400x128xf32>
    %slice3A_691 = vector.extract_strided_slice %div3A_485 {offsets = [0, 6], sizes = [400, 1], strides = [1, 1]} : vector<400x16xf32> to vector<400x1xf32>
    %mul3A_692 = vector.broadcast %slice3A_691 : vector<400x1xf32> to vector<400x128xf32>
    %mul3A_693 = arith.mulf %get3A_674, %mul3A_692 : vector<400x128xf32>
    %add3A_694 = arith.addf %add3A_665, %mul3A_693 : vector<400x128xf32>
    %mul3A_695 = vector.broadcast %slice3A_691 : vector<400x1xf32> to vector<400x128xf32>
    %mul3A_696 = arith.mulf %get3A_677, %mul3A_695 : vector<400x128xf32>
    %add3A_697 = arith.addf %add3A_668, %mul3A_696 : vector<400x128xf32>
    %mul3A_698 = vector.broadcast %slice3A_691 : vector<400x1xf32> to vector<400x128xf32>
    %mul3A_699 = arith.mulf %get3A_680, %mul3A_698 : vector<400x128xf32>
    %add3A_700 = arith.addf %add3A_671, %mul3A_699 : vector<400x128xf32>
    %get3A_701 = arith.constant 0 : index
    %get3A_702 = arith.constant 896 : index
    %get3A_703 = vector.load %arg2[%get3A_701, %get3A_702] : memref<400x2048xf32, #tpu.memory_space<vmem>>, vector<400x128xf32>
    %get3A_704 = arith.constant 0 : index
    %get3A_705 = arith.constant 896 : index
    %get3A_706 = vector.load %arg3[%get3A_704, %get3A_705] : memref<400x2048xf32, #tpu.memory_space<vmem>>, vector<400x128xf32>
    %get3A_707 = arith.constant 0 : index
    %get3A_708 = arith.constant 896 : index
    %get3A_709 = vector.load %arg4[%get3A_707, %get3A_708] : memref<400x2048xf32, #tpu.memory_space<vmem>>, vector<400x128xf32>
    %slice3A_710 = vector.extract_strided_slice %div3A_474 {offsets = [0, 7], sizes = [400, 1], strides = [1, 1]} : vector<400x16xf32> to vector<400x1xf32>
    %mul3A_711 = vector.broadcast %slice3A_710 : vector<400x1xf32> to vector<400x128xf32>
    %mul3A_712 = arith.mulf %get3A_703, %mul3A_711 : vector<400x128xf32>
    %add3A_713 = arith.addf %add3A_684, %mul3A_712 : vector<400x128xf32>
    %mul3A_714 = vector.broadcast %slice3A_710 : vector<400x1xf32> to vector<400x128xf32>
    %mul3A_715 = arith.mulf %get3A_706, %mul3A_714 : vector<400x128xf32>
    %add3A_716 = arith.addf %add3A_687, %mul3A_715 : vector<400x128xf32>
    %mul3A_717 = vector.broadcast %slice3A_710 : vector<400x1xf32> to vector<400x128xf32>
    %mul3A_718 = arith.mulf %get3A_709, %mul3A_717 : vector<400x128xf32>
    %add3A_719 = arith.addf %add3A_690, %mul3A_718 : vector<400x128xf32>
    %slice3A_720 = vector.extract_strided_slice %div3A_485 {offsets = [0, 7], sizes = [400, 1], strides = [1, 1]} : vector<400x16xf32> to vector<400x1xf32>
    %mul3A_721 = vector.broadcast %slice3A_720 : vector<400x1xf32> to vector<400x128xf32>
    %mul3A_722 = arith.mulf %get3A_703, %mul3A_721 : vector<400x128xf32>
    %add3A_723 = arith.addf %add3A_694, %mul3A_722 : vector<400x128xf32>
    %mul3A_724 = vector.broadcast %slice3A_720 : vector<400x1xf32> to vector<400x128xf32>
    %mul3A_725 = arith.mulf %get3A_706, %mul3A_724 : vector<400x128xf32>
    %add3A_726 = arith.addf %add3A_697, %mul3A_725 : vector<400x128xf32>
    %mul3A_727 = vector.broadcast %slice3A_720 : vector<400x1xf32> to vector<400x128xf32>
    %mul3A_728 = arith.mulf %get3A_709, %mul3A_727 : vector<400x128xf32>
    %add3A_729 = arith.addf %add3A_700, %mul3A_728 : vector<400x128xf32>
    %get3A_730 = arith.constant 0 : index
    %get3A_731 = arith.constant 1024 : index
    %get3A_732 = vector.load %arg2[%get3A_730, %get3A_731] : memref<400x2048xf32, #tpu.memory_space<vmem>>, vector<400x128xf32>
    %get3A_733 = arith.constant 0 : index
    %get3A_734 = arith.constant 1024 : index
    %get3A_735 = vector.load %arg3[%get3A_733, %get3A_734] : memref<400x2048xf32, #tpu.memory_space<vmem>>, vector<400x128xf32>
    %get3A_736 = arith.constant 0 : index
    %get3A_737 = arith.constant 1024 : index
    %get3A_738 = vector.load %arg4[%get3A_736, %get3A_737] : memref<400x2048xf32, #tpu.memory_space<vmem>>, vector<400x128xf32>
    %slice3A_739 = vector.extract_strided_slice %div3A_474 {offsets = [0, 8], sizes = [400, 1], strides = [1, 1]} : vector<400x16xf32> to vector<400x1xf32>
    %mul3A_740 = vector.broadcast %slice3A_739 : vector<400x1xf32> to vector<400x128xf32>
    %mul3A_741 = arith.mulf %get3A_732, %mul3A_740 : vector<400x128xf32>
    %add3A_742 = arith.addf %add3A_713, %mul3A_741 : vector<400x128xf32>
    %mul3A_743 = vector.broadcast %slice3A_739 : vector<400x1xf32> to vector<400x128xf32>
    %mul3A_744 = arith.mulf %get3A_735, %mul3A_743 : vector<400x128xf32>
    %add3A_745 = arith.addf %add3A_716, %mul3A_744 : vector<400x128xf32>
    %mul3A_746 = vector.broadcast %slice3A_739 : vector<400x1xf32> to vector<400x128xf32>
    %mul3A_747 = arith.mulf %get3A_738, %mul3A_746 : vector<400x128xf32>
    %add3A_748 = arith.addf %add3A_719, %mul3A_747 : vector<400x128xf32>
    %slice3A_749 = vector.extract_strided_slice %div3A_485 {offsets = [0, 8], sizes = [400, 1], strides = [1, 1]} : vector<400x16xf32> to vector<400x1xf32>
    %mul3A_750 = vector.broadcast %slice3A_749 : vector<400x1xf32> to vector<400x128xf32>
    %mul3A_751 = arith.mulf %get3A_732, %mul3A_750 : vector<400x128xf32>
    %add3A_752 = arith.addf %add3A_723, %mul3A_751 : vector<400x128xf32>
    %mul3A_753 = vector.broadcast %slice3A_749 : vector<400x1xf32> to vector<400x128xf32>
    %mul3A_754 = arith.mulf %get3A_735, %mul3A_753 : vector<400x128xf32>
    %add3A_755 = arith.addf %add3A_726, %mul3A_754 : vector<400x128xf32>
    %mul3A_756 = vector.broadcast %slice3A_749 : vector<400x1xf32> to vector<400x128xf32>
    %mul3A_757 = arith.mulf %get3A_738, %mul3A_756 : vector<400x128xf32>
    %add3A_758 = arith.addf %add3A_729, %mul3A_757 : vector<400x128xf32>
    %get3A_759 = arith.constant 0 : index
    %get3A_760 = arith.constant 1152 : index
    %get3A_761 = vector.load %arg2[%get3A_759, %get3A_760] : memref<400x2048xf32, #tpu.memory_space<vmem>>, vector<400x128xf32>
    %get3A_762 = arith.constant 0 : index
    %get3A_763 = arith.constant 1152 : index
    %get3A_764 = vector.load %arg3[%get3A_762, %get3A_763] : memref<400x2048xf32, #tpu.memory_space<vmem>>, vector<400x128xf32>
    %get3A_765 = arith.constant 0 : index
    %get3A_766 = arith.constant 1152 : index
    %get3A_767 = vector.load %arg4[%get3A_765, %get3A_766] : memref<400x2048xf32, #tpu.memory_space<vmem>>, vector<400x128xf32>
    %slice3A_768 = vector.extract_strided_slice %div3A_474 {offsets = [0, 9], sizes = [400, 1], strides = [1, 1]} : vector<400x16xf32> to vector<400x1xf32>
    %mul3A_769 = vector.broadcast %slice3A_768 : vector<400x1xf32> to vector<400x128xf32>
    %mul3A_770 = arith.mulf %get3A_761, %mul3A_769 : vector<400x128xf32>
    %add3A_771 = arith.addf %add3A_742, %mul3A_770 : vector<400x128xf32>
    %mul3A_772 = vector.broadcast %slice3A_768 : vector<400x1xf32> to vector<400x128xf32>
    %mul3A_773 = arith.mulf %get3A_764, %mul3A_772 : vector<400x128xf32>
    %add3A_774 = arith.addf %add3A_745, %mul3A_773 : vector<400x128xf32>
    %mul3A_775 = vector.broadcast %slice3A_768 : vector<400x1xf32> to vector<400x128xf32>
    %mul3A_776 = arith.mulf %get3A_767, %mul3A_775 : vector<400x128xf32>
    %add3A_777 = arith.addf %add3A_748, %mul3A_776 : vector<400x128xf32>
    %slice3A_778 = vector.extract_strided_slice %div3A_485 {offsets = [0, 9], sizes = [400, 1], strides = [1, 1]} : vector<400x16xf32> to vector<400x1xf32>
    %mul3A_779 = vector.broadcast %slice3A_778 : vector<400x1xf32> to vector<400x128xf32>
    %mul3A_780 = arith.mulf %get3A_761, %mul3A_779 : vector<400x128xf32>
    %add3A_781 = arith.addf %add3A_752, %mul3A_780 : vector<400x128xf32>
    %mul3A_782 = vector.broadcast %slice3A_778 : vector<400x1xf32> to vector<400x128xf32>
    %mul3A_783 = arith.mulf %get3A_764, %mul3A_782 : vector<400x128xf32>
    %add3A_784 = arith.addf %add3A_755, %mul3A_783 : vector<400x128xf32>
    %mul3A_785 = vector.broadcast %slice3A_778 : vector<400x1xf32> to vector<400x128xf32>
    %mul3A_786 = arith.mulf %get3A_767, %mul3A_785 : vector<400x128xf32>
    %add3A_787 = arith.addf %add3A_758, %mul3A_786 : vector<400x128xf32>
    %get3A_788 = arith.constant 0 : index
    %get3A_789 = arith.constant 1280 : index
    %get3A_790 = vector.load %arg2[%get3A_788, %get3A_789] : memref<400x2048xf32, #tpu.memory_space<vmem>>, vector<400x128xf32>
    %get3A_791 = arith.constant 0 : index
    %get3A_792 = arith.constant 1280 : index
    %get3A_793 = vector.load %arg3[%get3A_791, %get3A_792] : memref<400x2048xf32, #tpu.memory_space<vmem>>, vector<400x128xf32>
    %get3A_794 = arith.constant 0 : index
    %get3A_795 = arith.constant 1280 : index
    %get3A_796 = vector.load %arg4[%get3A_794, %get3A_795] : memref<400x2048xf32, #tpu.memory_space<vmem>>, vector<400x128xf32>
    %slice3A_797 = vector.extract_strided_slice %div3A_474 {offsets = [0, 10], sizes = [400, 1], strides = [1, 1]} : vector<400x16xf32> to vector<400x1xf32>
    %mul3A_798 = vector.broadcast %slice3A_797 : vector<400x1xf32> to vector<400x128xf32>
    %mul3A_799 = arith.mulf %get3A_790, %mul3A_798 : vector<400x128xf32>
    %add3A_800 = arith.addf %add3A_771, %mul3A_799 : vector<400x128xf32>
    %mul3A_801 = vector.broadcast %slice3A_797 : vector<400x1xf32> to vector<400x128xf32>
    %mul3A_802 = arith.mulf %get3A_793, %mul3A_801 : vector<400x128xf32>
    %add3A_803 = arith.addf %add3A_774, %mul3A_802 : vector<400x128xf32>
    %mul3A_804 = vector.broadcast %slice3A_797 : vector<400x1xf32> to vector<400x128xf32>
    %mul3A_805 = arith.mulf %get3A_796, %mul3A_804 : vector<400x128xf32>
    %add3A_806 = arith.addf %add3A_777, %mul3A_805 : vector<400x128xf32>
    %slice3A_807 = vector.extract_strided_slice %div3A_485 {offsets = [0, 10], sizes = [400, 1], strides = [1, 1]} : vector<400x16xf32> to vector<400x1xf32>
    %mul3A_808 = vector.broadcast %slice3A_807 : vector<400x1xf32> to vector<400x128xf32>
    %mul3A_809 = arith.mulf %get3A_790, %mul3A_808 : vector<400x128xf32>
    %add3A_810 = arith.addf %add3A_781, %mul3A_809 : vector<400x128xf32>
    %mul3A_811 = vector.broadcast %slice3A_807 : vector<400x1xf32> to vector<400x128xf32>
    %mul3A_812 = arith.mulf %get3A_793, %mul3A_811 : vector<400x128xf32>
    %add3A_813 = arith.addf %add3A_784, %mul3A_812 : vector<400x128xf32>
    %mul3A_814 = vector.broadcast %slice3A_807 : vector<400x1xf32> to vector<400x128xf32>
    %mul3A_815 = arith.mulf %get3A_796, %mul3A_814 : vector<400x128xf32>
    %add3A_816 = arith.addf %add3A_787, %mul3A_815 : vector<400x128xf32>
    %get3A_817 = arith.constant 0 : index
    %get3A_818 = arith.constant 1408 : index
    %get3A_819 = vector.load %arg2[%get3A_817, %get3A_818] : memref<400x2048xf32, #tpu.memory_space<vmem>>, vector<400x128xf32>
    %get3A_820 = arith.constant 0 : index
    %get3A_821 = arith.constant 1408 : index
    %get3A_822 = vector.load %arg3[%get3A_820, %get3A_821] : memref<400x2048xf32, #tpu.memory_space<vmem>>, vector<400x128xf32>
    %get3A_823 = arith.constant 0 : index
    %get3A_824 = arith.constant 1408 : index
    %get3A_825 = vector.load %arg4[%get3A_823, %get3A_824] : memref<400x2048xf32, #tpu.memory_space<vmem>>, vector<400x128xf32>
    %slice3A_826 = vector.extract_strided_slice %div3A_474 {offsets = [0, 11], sizes = [400, 1], strides = [1, 1]} : vector<400x16xf32> to vector<400x1xf32>
    %mul3A_827 = vector.broadcast %slice3A_826 : vector<400x1xf32> to vector<400x128xf32>
    %mul3A_828 = arith.mulf %get3A_819, %mul3A_827 : vector<400x128xf32>
    %add3A_829 = arith.addf %add3A_800, %mul3A_828 : vector<400x128xf32>
    %mul3A_830 = vector.broadcast %slice3A_826 : vector<400x1xf32> to vector<400x128xf32>
    %mul3A_831 = arith.mulf %get3A_822, %mul3A_830 : vector<400x128xf32>
    %add3A_832 = arith.addf %add3A_803, %mul3A_831 : vector<400x128xf32>
    %mul3A_833 = vector.broadcast %slice3A_826 : vector<400x1xf32> to vector<400x128xf32>
    %mul3A_834 = arith.mulf %get3A_825, %mul3A_833 : vector<400x128xf32>
    %add3A_835 = arith.addf %add3A_806, %mul3A_834 : vector<400x128xf32>
    %slice3A_836 = vector.extract_strided_slice %div3A_485 {offsets = [0, 11], sizes = [400, 1], strides = [1, 1]} : vector<400x16xf32> to vector<400x1xf32>
    %mul3A_837 = vector.broadcast %slice3A_836 : vector<400x1xf32> to vector<400x128xf32>
    %mul3A_838 = arith.mulf %get3A_819, %mul3A_837 : vector<400x128xf32>
    %add3A_839 = arith.addf %add3A_810, %mul3A_838 : vector<400x128xf32>
    %mul3A_840 = vector.broadcast %slice3A_836 : vector<400x1xf32> to vector<400x128xf32>
    %mul3A_841 = arith.mulf %get3A_822, %mul3A_840 : vector<400x128xf32>
    %add3A_842 = arith.addf %add3A_813, %mul3A_841 : vector<400x128xf32>
    %mul3A_843 = vector.broadcast %slice3A_836 : vector<400x1xf32> to vector<400x128xf32>
    %mul3A_844 = arith.mulf %get3A_825, %mul3A_843 : vector<400x128xf32>
    %add3A_845 = arith.addf %add3A_816, %mul3A_844 : vector<400x128xf32>
    %get3A_846 = arith.constant 0 : index
    %get3A_847 = arith.constant 1536 : index
    %get3A_848 = vector.load %arg2[%get3A_846, %get3A_847] : memref<400x2048xf32, #tpu.memory_space<vmem>>, vector<400x128xf32>
    %get3A_849 = arith.constant 0 : index
    %get3A_850 = arith.constant 1536 : index
    %get3A_851 = vector.load %arg3[%get3A_849, %get3A_850] : memref<400x2048xf32, #tpu.memory_space<vmem>>, vector<400x128xf32>
    %get3A_852 = arith.constant 0 : index
    %get3A_853 = arith.constant 1536 : index
    %get3A_854 = vector.load %arg4[%get3A_852, %get3A_853] : memref<400x2048xf32, #tpu.memory_space<vmem>>, vector<400x128xf32>
    %slice3A_855 = vector.extract_strided_slice %div3A_474 {offsets = [0, 12], sizes = [400, 1], strides = [1, 1]} : vector<400x16xf32> to vector<400x1xf32>
    %mul3A_856 = vector.broadcast %slice3A_855 : vector<400x1xf32> to vector<400x128xf32>
    %mul3A_857 = arith.mulf %get3A_848, %mul3A_856 : vector<400x128xf32>
    %add3A_858 = arith.addf %add3A_829, %mul3A_857 : vector<400x128xf32>
    %mul3A_859 = vector.broadcast %slice3A_855 : vector<400x1xf32> to vector<400x128xf32>
    %mul3A_860 = arith.mulf %get3A_851, %mul3A_859 : vector<400x128xf32>
    %add3A_861 = arith.addf %add3A_832, %mul3A_860 : vector<400x128xf32>
    %mul3A_862 = vector.broadcast %slice3A_855 : vector<400x1xf32> to vector<400x128xf32>
    %mul3A_863 = arith.mulf %get3A_854, %mul3A_862 : vector<400x128xf32>
    %add3A_864 = arith.addf %add3A_835, %mul3A_863 : vector<400x128xf32>
    %slice3A_865 = vector.extract_strided_slice %div3A_485 {offsets = [0, 12], sizes = [400, 1], strides = [1, 1]} : vector<400x16xf32> to vector<400x1xf32>
    %mul3A_866 = vector.broadcast %slice3A_865 : vector<400x1xf32> to vector<400x128xf32>
    %mul3A_867 = arith.mulf %get3A_848, %mul3A_866 : vector<400x128xf32>
    %add3A_868 = arith.addf %add3A_839, %mul3A_867 : vector<400x128xf32>
    %mul3A_869 = vector.broadcast %slice3A_865 : vector<400x1xf32> to vector<400x128xf32>
    %mul3A_870 = arith.mulf %get3A_851, %mul3A_869 : vector<400x128xf32>
    %add3A_871 = arith.addf %add3A_842, %mul3A_870 : vector<400x128xf32>
    %mul3A_872 = vector.broadcast %slice3A_865 : vector<400x1xf32> to vector<400x128xf32>
    %mul3A_873 = arith.mulf %get3A_854, %mul3A_872 : vector<400x128xf32>
    %add3A_874 = arith.addf %add3A_845, %mul3A_873 : vector<400x128xf32>
    %get3A_875 = arith.constant 0 : index
    %get3A_876 = arith.constant 1664 : index
    %get3A_877 = vector.load %arg2[%get3A_875, %get3A_876] : memref<400x2048xf32, #tpu.memory_space<vmem>>, vector<400x128xf32>
    %get3A_878 = arith.constant 0 : index
    %get3A_879 = arith.constant 1664 : index
    %get3A_880 = vector.load %arg3[%get3A_878, %get3A_879] : memref<400x2048xf32, #tpu.memory_space<vmem>>, vector<400x128xf32>
    %get3A_881 = arith.constant 0 : index
    %get3A_882 = arith.constant 1664 : index
    %get3A_883 = vector.load %arg4[%get3A_881, %get3A_882] : memref<400x2048xf32, #tpu.memory_space<vmem>>, vector<400x128xf32>
    %slice3A_884 = vector.extract_strided_slice %div3A_474 {offsets = [0, 13], sizes = [400, 1], strides = [1, 1]} : vector<400x16xf32> to vector<400x1xf32>
    %mul3A_885 = vector.broadcast %slice3A_884 : vector<400x1xf32> to vector<400x128xf32>
    %mul3A_886 = arith.mulf %get3A_877, %mul3A_885 : vector<400x128xf32>
    %add3A_887 = arith.addf %add3A_858, %mul3A_886 : vector<400x128xf32>
    %mul3A_888 = vector.broadcast %slice3A_884 : vector<400x1xf32> to vector<400x128xf32>
    %mul3A_889 = arith.mulf %get3A_880, %mul3A_888 : vector<400x128xf32>
    %add3A_890 = arith.addf %add3A_861, %mul3A_889 : vector<400x128xf32>
    %mul3A_891 = vector.broadcast %slice3A_884 : vector<400x1xf32> to vector<400x128xf32>
    %mul3A_892 = arith.mulf %get3A_883, %mul3A_891 : vector<400x128xf32>
    %add3A_893 = arith.addf %add3A_864, %mul3A_892 : vector<400x128xf32>
    %slice3A_894 = vector.extract_strided_slice %div3A_485 {offsets = [0, 13], sizes = [400, 1], strides = [1, 1]} : vector<400x16xf32> to vector<400x1xf32>
    %mul3A_895 = vector.broadcast %slice3A_894 : vector<400x1xf32> to vector<400x128xf32>
    %mul3A_896 = arith.mulf %get3A_877, %mul3A_895 : vector<400x128xf32>
    %add3A_897 = arith.addf %add3A_868, %mul3A_896 : vector<400x128xf32>
    %mul3A_898 = vector.broadcast %slice3A_894 : vector<400x1xf32> to vector<400x128xf32>
    %mul3A_899 = arith.mulf %get3A_880, %mul3A_898 : vector<400x128xf32>
    %add3A_900 = arith.addf %add3A_871, %mul3A_899 : vector<400x128xf32>
    %mul3A_901 = vector.broadcast %slice3A_894 : vector<400x1xf32> to vector<400x128xf32>
    %mul3A_902 = arith.mulf %get3A_883, %mul3A_901 : vector<400x128xf32>
    %add3A_903 = arith.addf %add3A_874, %mul3A_902 : vector<400x128xf32>
    %get3A_904 = arith.constant 0 : index
    %get3A_905 = arith.constant 1792 : index
    %get3A_906 = vector.load %arg2[%get3A_904, %get3A_905] : memref<400x2048xf32, #tpu.memory_space<vmem>>, vector<400x128xf32>
    %get3A_907 = arith.constant 0 : index
    %get3A_908 = arith.constant 1792 : index
    %get3A_909 = vector.load %arg3[%get3A_907, %get3A_908] : memref<400x2048xf32, #tpu.memory_space<vmem>>, vector<400x128xf32>
    %get3A_910 = arith.constant 0 : index
    %get3A_911 = arith.constant 1792 : index
    %get3A_912 = vector.load %arg4[%get3A_910, %get3A_911] : memref<400x2048xf32, #tpu.memory_space<vmem>>, vector<400x128xf32>
    %slice3A_913 = vector.extract_strided_slice %div3A_474 {offsets = [0, 14], sizes = [400, 1], strides = [1, 1]} : vector<400x16xf32> to vector<400x1xf32>
    %mul3A_914 = vector.broadcast %slice3A_913 : vector<400x1xf32> to vector<400x128xf32>
    %mul3A_915 = arith.mulf %get3A_906, %mul3A_914 : vector<400x128xf32>
    %add3A_916 = arith.addf %add3A_887, %mul3A_915 : vector<400x128xf32>
    %mul3A_917 = vector.broadcast %slice3A_913 : vector<400x1xf32> to vector<400x128xf32>
    %mul3A_918 = arith.mulf %get3A_909, %mul3A_917 : vector<400x128xf32>
    %add3A_919 = arith.addf %add3A_890, %mul3A_918 : vector<400x128xf32>
    %mul3A_920 = vector.broadcast %slice3A_913 : vector<400x1xf32> to vector<400x128xf32>
    %mul3A_921 = arith.mulf %get3A_912, %mul3A_920 : vector<400x128xf32>
    %add3A_922 = arith.addf %add3A_893, %mul3A_921 : vector<400x128xf32>
    %slice3A_923 = vector.extract_strided_slice %div3A_485 {offsets = [0, 14], sizes = [400, 1], strides = [1, 1]} : vector<400x16xf32> to vector<400x1xf32>
    %mul3A_924 = vector.broadcast %slice3A_923 : vector<400x1xf32> to vector<400x128xf32>
    %mul3A_925 = arith.mulf %get3A_906, %mul3A_924 : vector<400x128xf32>
    %add3A_926 = arith.addf %add3A_897, %mul3A_925 : vector<400x128xf32>
    %mul3A_927 = vector.broadcast %slice3A_923 : vector<400x1xf32> to vector<400x128xf32>
    %mul3A_928 = arith.mulf %get3A_909, %mul3A_927 : vector<400x128xf32>
    %add3A_929 = arith.addf %add3A_900, %mul3A_928 : vector<400x128xf32>
    %mul3A_930 = vector.broadcast %slice3A_923 : vector<400x1xf32> to vector<400x128xf32>
    %mul3A_931 = arith.mulf %get3A_912, %mul3A_930 : vector<400x128xf32>
    %add3A_932 = arith.addf %add3A_903, %mul3A_931 : vector<400x128xf32>
    %get3A_933 = arith.constant 0 : index
    %get3A_934 = arith.constant 1920 : index
    %get3A_935 = vector.load %arg2[%get3A_933, %get3A_934] : memref<400x2048xf32, #tpu.memory_space<vmem>>, vector<400x128xf32>
    %get3A_936 = arith.constant 0 : index
    %get3A_937 = arith.constant 1920 : index
    %get3A_938 = vector.load %arg3[%get3A_936, %get3A_937] : memref<400x2048xf32, #tpu.memory_space<vmem>>, vector<400x128xf32>
    %get3A_939 = arith.constant 0 : index
    %get3A_940 = arith.constant 1920 : index
    %get3A_941 = vector.load %arg4[%get3A_939, %get3A_940] : memref<400x2048xf32, #tpu.memory_space<vmem>>, vector<400x128xf32>
    %slice3A_942 = vector.extract_strided_slice %div3A_474 {offsets = [0, 15], sizes = [400, 1], strides = [1, 1]} : vector<400x16xf32> to vector<400x1xf32>
    %mul3A_943 = vector.broadcast %slice3A_942 : vector<400x1xf32> to vector<400x128xf32>
    %mul3A_944 = arith.mulf %get3A_935, %mul3A_943 : vector<400x128xf32>
    %add3A_945 = arith.addf %add3A_916, %mul3A_944 : vector<400x128xf32>
    %mul3A_946 = vector.broadcast %slice3A_942 : vector<400x1xf32> to vector<400x128xf32>
    %mul3A_947 = arith.mulf %get3A_938, %mul3A_946 : vector<400x128xf32>
    %add3A_948 = arith.addf %add3A_919, %mul3A_947 : vector<400x128xf32>
    %mul3A_949 = vector.broadcast %slice3A_942 : vector<400x1xf32> to vector<400x128xf32>
    %mul3A_950 = arith.mulf %get3A_941, %mul3A_949 : vector<400x128xf32>
    %add3A_951 = arith.addf %add3A_922, %mul3A_950 : vector<400x128xf32>
    %slice3A_952 = vector.extract_strided_slice %div3A_485 {offsets = [0, 15], sizes = [400, 1], strides = [1, 1]} : vector<400x16xf32> to vector<400x1xf32>
    %mul3A_953 = vector.broadcast %slice3A_952 : vector<400x1xf32> to vector<400x128xf32>
    %mul3A_954 = arith.mulf %get3A_935, %mul3A_953 : vector<400x128xf32>
    %add3A_955 = arith.addf %add3A_926, %mul3A_954 : vector<400x128xf32>
    %mul3A_956 = vector.broadcast %slice3A_952 : vector<400x1xf32> to vector<400x128xf32>
    %mul3A_957 = arith.mulf %get3A_938, %mul3A_956 : vector<400x128xf32>
    %add3A_958 = arith.addf %add3A_929, %mul3A_957 : vector<400x128xf32>
    %mul3A_959 = vector.broadcast %slice3A_952 : vector<400x1xf32> to vector<400x128xf32>
    %mul3A_960 = arith.mulf %get3A_941, %mul3A_959 : vector<400x128xf32>
    %add3A_961 = arith.addf %add3A_932, %mul3A_960 : vector<400x128xf32>
    %get3A_962 = arith.constant 0 : index
    %get3A_963 = arith.constant 0 : index
    %get3A_964 = vector.load %arg9[%get3A_962, %get3A_963] : memref<384x256xf32, #tpu.memory_space<vmem>>, vector<128x128xf32>
    %dot_general3A_965 = arith.constant dense<0.000000e+00> : vector<400x128xf32>
    %dot_general3A_966 = tpu.matmul %add3A_945, %get3A_964, %dot_general3A_965 {dimension_numbers = #tpu.dot_dimension_numbers<[1], [0], [0], [1], [0, 0, 1, 1], [], []>, transpose_lhs_hint = false} : vector<400x128xf32>, vector<128x128xf32>, vector<400x128xf32> -> vector<400x128xf32>
    %get3A_967 = arith.constant 128 : index
    %get3A_968 = arith.constant 0 : index
    %get3A_969 = vector.load %arg9[%get3A_967, %get3A_968] : memref<384x256xf32, #tpu.memory_space<vmem>>, vector<128x128xf32>
    %dot_general3A_970 = arith.constant dense<0.000000e+00> : vector<400x128xf32>
    %dot_general3A_971 = tpu.matmul %add3A_948, %get3A_969, %dot_general3A_970 {dimension_numbers = #tpu.dot_dimension_numbers<[1], [0], [0], [1], [0, 0, 1, 1], [], []>, transpose_lhs_hint = false} : vector<400x128xf32>, vector<128x128xf32>, vector<400x128xf32> -> vector<400x128xf32>
    %add3A_972 = arith.addf %dot_general3A_966, %dot_general3A_971 : vector<400x128xf32>
    %get3A_973 = arith.constant 256 : index
    %get3A_974 = arith.constant 0 : index
    %get3A_975 = vector.load %arg9[%get3A_973, %get3A_974] : memref<384x256xf32, #tpu.memory_space<vmem>>, vector<128x128xf32>
    %dot_general3A_976 = arith.constant dense<0.000000e+00> : vector<400x128xf32>
    %dot_general3A_977 = tpu.matmul %add3A_951, %get3A_975, %dot_general3A_976 {dimension_numbers = #tpu.dot_dimension_numbers<[1], [0], [0], [1], [0, 0, 1, 1], [], []>, transpose_lhs_hint = false} : vector<400x128xf32>, vector<128x128xf32>, vector<400x128xf32> -> vector<400x128xf32>
    %add3A_978 = arith.addf %add3A_972, %dot_general3A_977 : vector<400x128xf32>
    %get3A_979 = arith.constant 0 : index
    %get3A_980 = arith.constant 128 : index
    %get3A_981 = vector.load %arg9[%get3A_979, %get3A_980] : memref<384x256xf32, #tpu.memory_space<vmem>>, vector<128x128xf32>
    %dot_general3A_982 = arith.constant dense<0.000000e+00> : vector<400x128xf32>
    %dot_general3A_983 = tpu.matmul %add3A_955, %get3A_981, %dot_general3A_982 {dimension_numbers = #tpu.dot_dimension_numbers<[1], [0], [0], [1], [0, 0, 1, 1], [], []>, transpose_lhs_hint = false} : vector<400x128xf32>, vector<128x128xf32>, vector<400x128xf32> -> vector<400x128xf32>
    %get3A_984 = arith.constant 128 : index
    %get3A_985 = arith.constant 128 : index
    %get3A_986 = vector.load %arg9[%get3A_984, %get3A_985] : memref<384x256xf32, #tpu.memory_space<vmem>>, vector<128x128xf32>
    %dot_general3A_987 = arith.constant dense<0.000000e+00> : vector<400x128xf32>
    %dot_general3A_988 = tpu.matmul %add3A_958, %get3A_986, %dot_general3A_987 {dimension_numbers = #tpu.dot_dimension_numbers<[1], [0], [0], [1], [0, 0, 1, 1], [], []>, transpose_lhs_hint = false} : vector<400x128xf32>, vector<128x128xf32>, vector<400x128xf32> -> vector<400x128xf32>
    %add3A_989 = arith.addf %dot_general3A_983, %dot_general3A_988 : vector<400x128xf32>
    %get3A_990 = arith.constant 256 : index
    %get3A_991 = arith.constant 128 : index
    %get3A_992 = vector.load %arg9[%get3A_990, %get3A_991] : memref<384x256xf32, #tpu.memory_space<vmem>>, vector<128x128xf32>
    %dot_general3A_993 = arith.constant dense<0.000000e+00> : vector<400x128xf32>
    %dot_general3A_994 = tpu.matmul %add3A_961, %get3A_992, %dot_general3A_993 {dimension_numbers = #tpu.dot_dimension_numbers<[1], [0], [0], [1], [0, 0, 1, 1], [], []>, transpose_lhs_hint = false} : vector<400x128xf32>, vector<128x128xf32>, vector<400x128xf32> -> vector<400x128xf32>
    %add3A_995 = arith.addf %add3A_989, %dot_general3A_994 : vector<400x128xf32>
    %concatenate3A_996 = tpu.concatenate %add3A_978, %add3A_995 in 1 : vector<400x128xf32>, vector<400x128xf32> -> vector<400x256xf32>
    %get3A_997 = arith.constant 0 : index
    %get3A_998 = arith.constant 0 : index
    %get3A_999 = vector.load %arg10[%get3A_997, %get3A_998] : memref<1x256xf32, #tpu.memory_space<vmem>>, vector<1x256xf32>
    %add3A_1000 = vector.broadcast %get3A_999 : vector<1x256xf32> to vector<400x256xf32>
    %add3A_1001 = arith.addf %concatenate3A_996, %add3A_1000 : vector<400x256xf32>
    %get3A_1002 = arith.constant 0 : index
    %get3A_1003 = arith.constant 0 : index
    %get3A_1004 = vector.load %arg11[%get3A_1002, %get3A_1003] : memref<256x256xf32, #tpu.memory_space<vmem>>, vector<256x256xf32>
    %dot_general3A_1005 = arith.constant dense<0.000000e+00> : vector<400x256xf32>
    %dot_general3A_1006 = tpu.matmul %add3A_1001, %get3A_1004, %dot_general3A_1005 {dimension_numbers = #tpu.dot_dimension_numbers<[1], [0], [0], [1], [0, 0, 1, 1], [], []>, transpose_lhs_hint = false} : vector<400x256xf32>, vector<256x256xf32>, vector<400x256xf32> -> vector<400x256xf32>
    %get3A_1007 = arith.constant 0 : index
    %get3A_1008 = arith.constant 0 : index
    %get3A_1009 = vector.load %arg12[%get3A_1007, %get3A_1008] : memref<1x256xf32, #tpu.memory_space<vmem>>, vector<1x256xf32>
    %add3A_1010 = vector.broadcast %get3A_1009 : vector<1x256xf32> to vector<400x256xf32>
    %add3A_1011 = arith.addf %dot_general3A_1006, %add3A_1010 : vector<400x256xf32>
    %get3A_1012 = arith.constant 0 : index
    %get3A_1013 = arith.constant 0 : index
    %get3A_1014 = vector.load %arg13[%get3A_1012, %get3A_1013] : memref<384x128xf32, #tpu.memory_space<vmem>>, vector<256x128xf32>
    %dot_general3A_1015 = arith.constant dense<0.000000e+00> : vector<400x128xf32>
    %dot_general3A_1016 = tpu.matmul %add3A_1011, %get3A_1014, %dot_general3A_1015 {dimension_numbers = #tpu.dot_dimension_numbers<[1], [0], [0], [1], [0, 0, 1, 1], [], []>, transpose_lhs_hint = false} : vector<400x256xf32>, vector<256x128xf32>, vector<400x128xf32> -> vector<400x128xf32>
    %slice3A_1017 = vector.extract_strided_slice %get3A_1 {offsets = [0, 0], sizes = [400, 128], strides = [1, 1]} : vector<400x256xf32> to vector<400x128xf32>
    %get3A_1018 = arith.constant 256 : index
    %get3A_1019 = arith.constant 0 : index
    %get3A_1020 = vector.load %arg13[%get3A_1018, %get3A_1019] : memref<384x128xf32, #tpu.memory_space<vmem>>, vector<128x128xf32>
    %dot_general3A_1021 = arith.constant dense<0.000000e+00> : vector<400x128xf32>
    %dot_general3A_1022 = tpu.matmul %slice3A_1017, %get3A_1020, %dot_general3A_1021 {dimension_numbers = #tpu.dot_dimension_numbers<[1], [0], [0], [1], [0, 0, 1, 1], [], []>, transpose_lhs_hint = false} : vector<400x128xf32>, vector<128x128xf32>, vector<400x128xf32> -> vector<400x128xf32>
    %add3A_1023 = arith.addf %dot_general3A_1016, %dot_general3A_1022 : vector<400x128xf32>
    %get3A_1024 = arith.constant 0 : index
    %get3A_1025 = arith.constant 0 : index
    %get3A_1026 = vector.load %arg14[%get3A_1024, %get3A_1025] : memref<1x128xf32, #tpu.memory_space<vmem>>, vector<1x128xf32>
    %add3A_1027 = vector.broadcast %get3A_1026 : vector<1x128xf32> to vector<400x128xf32>
    %add3A_1028 = arith.addf %add3A_1023, %add3A_1027 : vector<400x128xf32>
    %max3A = arith.constant 0.000000e+00 : f32
    %max3A_1029 = vector.broadcast %max3A : f32 to vector<400x128xf32>
    %max3A_1030 = arith.maximumf %add3A_1028, %max3A_1029 : vector<400x128xf32>
    %get3A_1031 = arith.constant 0 : index
    %get3A_1032 = arith.constant 0 : index
    %get3A_1033 = vector.load %arg15[%get3A_1031, %get3A_1032] : memref<128x128xf32, #tpu.memory_space<vmem>>, vector<128x128xf32>
    %dot_general3A_1034 = arith.constant dense<0.000000e+00> : vector<400x128xf32>
    %dot_general3A_1035 = tpu.matmul %max3A_1030, %get3A_1033, %dot_general3A_1034 {dimension_numbers = #tpu.dot_dimension_numbers<[1], [0], [0], [1], [0, 0, 1, 1], [], []>, transpose_lhs_hint = false} : vector<400x128xf32>, vector<128x128xf32>, vector<400x128xf32> -> vector<400x128xf32>
    %get3A_1036 = arith.constant 0 : index
    %get3A_1037 = arith.constant 0 : index
    %get3A_1038 = vector.load %arg16[%get3A_1036, %get3A_1037] : memref<1x128xf32, #tpu.memory_space<vmem>>, vector<1x128xf32>
    %add3A_1039 = vector.broadcast %get3A_1038 : vector<1x128xf32> to vector<400x128xf32>
    %add3A_1040 = arith.addf %dot_general3A_1035, %add3A_1039 : vector<400x128xf32>
    %swap3A = arith.constant 0 : index
    %swap3A_1041 = arith.constant 0 : index
    %swap3A_1042 = vector.load %arg17[%swap3A, %swap3A_1041] : memref<400x128xf32, #tpu.memory_space<vmem>>, vector<400x128xf32>
    tpu.vector_store %arg17[%swap3A, %swap3A_1041], %add3A_1040 {strides = array<i32>} : memref<400x128xf32, #tpu.memory_space<vmem>>, vector<400x128xf32>,
    return
  }
  func.func @transform_0(%arg0: i32) -> (i32, i32) {
    %c0_i32 = arith.constant 0 : i32
    %c0_i32_0 = arith.constant 0 : i32
    return %arg0, %c0_i32 : i32, i32
  }
  func.func @transform_1(%arg0: i32) -> (i32, i32) {
    %c0_i32 = arith.constant 0 : i32
    %c0_i32_0 = arith.constant 0 : i32
    return %arg0, %c0_i32 : i32, i32
  }
  func.func @transform_2(%arg0: i32) -> (i32, i32) {
    %c0_i32 = arith.constant 0 : i32
    %c0_i32_0 = arith.constant 0 : i32
    return %arg0, %c0_i32 : i32, i32
  }
  func.func @transform_3(%arg0: i32) -> (i32, i32) {
    %c0_i32 = arith.constant 0 : i32
    %c0_i32_0 = arith.constant 0 : i32
    return %arg0, %c0_i32 : i32, i32
  }
  func.func @transform_4(%arg0: i32) -> (i32, i32) {
    %c0_i32 = arith.constant 0 : i32
    %c0_i32_0 = arith.constant 0 : i32
    %c0_i32_1 = arith.constant 0 : i32
    return %c0_i32, %c0_i32_0 : i32, i32
  }
  func.func @transform_5(%arg0: i32) -> (i32, i32) {
    %c0_i32 = arith.constant 0 : i32
    %c0_i32_0 = arith.constant 0 : i32
    %c0_i32_1 = arith.constant 0 : i32
    return %c0_i32, %c0_i32_0 : i32, i32
  }
  func.func @transform_6(%arg0: i32) -> (i32, i32) {
    %c0_i32 = arith.constant 0 : i32
    %c0_i32_0 = arith.constant 0 : i32
    %c0_i32_1 = arith.constant 0 : i32
    return %c0_i32, %c0_i32_0 : i32, i32
  }
  func.func @transform_7(%arg0: i32) -> (i32, i32) {
    %c0_i32 = arith.constant 0 : i32
    %c0_i32_0 = arith.constant 0 : i32
    %c0_i32_1 = arith.constant 0 : i32
    return %c0_i32, %c0_i32_0 : i32, i32
  }
  func.func @transform_8(%arg0: i32) -> (i32, i32) {
    %c0_i32 = arith.constant 0 : i32
    %c0_i32_0 = arith.constant 0 : i32
    %c0_i32_1 = arith.constant 0 : i32
    return %c0_i32, %c0_i32_0 : i32, i32
  }
  func.func @transform_9(%arg0: i32) -> (i32, i32) {
    %c0_i32 = arith.constant 0 : i32
    %c0_i32_0 = arith.constant 0 : i32
    %c0_i32_1 = arith.constant 0 : i32
    return %c0_i32, %c0_i32_0 : i32, i32
  }
  func.func @transform_10(%arg0: i32) -> (i32, i32) {
    %c0_i32 = arith.constant 0 : i32
    %c0_i32_0 = arith.constant 0 : i32
    %c0_i32_1 = arith.constant 0 : i32
    return %c0_i32, %c0_i32_0 : i32, i32
  }
  func.func @transform_11(%arg0: i32) -> (i32, i32) {
    %c0_i32 = arith.constant 0 : i32
    %c0_i32_0 = arith.constant 0 : i32
    %c0_i32_1 = arith.constant 0 : i32
    return %c0_i32, %c0_i32_0 : i32, i32
  }
  func.func @transform_12(%arg0: i32) -> (i32, i32) {
    %c0_i32 = arith.constant 0 : i32
    %c0_i32_0 = arith.constant 0 : i32
    %c0_i32_1 = arith.constant 0 : i32
    return %c0_i32, %c0_i32_0 : i32, i32
  }
  func.func @transform_13(%arg0: i32) -> (i32, i32) {
    %c0_i32 = arith.constant 0 : i32
    %c0_i32_0 = arith.constant 0 : i32
    %c0_i32_1 = arith.constant 0 : i32
    return %c0_i32, %c0_i32_0 : i32, i32
  }
  func.func @transform_14(%arg0: i32) -> (i32, i32) {
    %c0_i32 = arith.constant 0 : i32
    %c0_i32_0 = arith.constant 0 : i32
    %c0_i32_1 = arith.constant 0 : i32
    return %c0_i32, %c0_i32_0 : i32, i32
  }
  func.func @transform_15(%arg0: i32) -> (i32, i32) {
    %c0_i32 = arith.constant 0 : i32
    %c0_i32_0 = arith.constant 0 : i32
    %c0_i32_1 = arith.constant 0 : i32
    return %c0_i32, %c0_i32_0 : i32, i32
  }
  func.func @transform_16(%arg0: i32) -> (i32, i32) {
    %c0_i32 = arith.constant 0 : i32
    %c0_i32_0 = arith.constant 0 : i32
    return %arg0, %c0_i32 : i32, i32
  }
}

</mosaic_0001>

<sc_bundles>
// kernel: sparse-core-data-format-call.cloned.1.call-start
scs
called_computation_lowered:
.L_overlay_start_0:
0x0: {  	s2 =	sld [smem:$0x3FD9]  }
0x1: {  	s3 =	sld [smem:$0x3FFE];
	_ =	sdelay $0x1  }
0x2: {  	s1 =	srdreg.scid  }
0x3: {  	s0 =	sand.u32 $0x1, s1  }
0x4: {  	s18 =	sshll.u32 s0, $0xA;
	s2 =	sadd.s32 s3, s2  }
0x5: {  	s2 =	sadd.s32 s2, s18  }
0x6: {  	[smem:$0x3FB8] =	sst s2  }
0x7: {  	_ = 	snop  }
0x8: {  	s2 =	sld [smem:$0x3FC7];
	(tm) =	ssettm $0x1  }
0x9: {  	s19 =	sld [smem:$0x3FFB];
	_ =	sdelay $0x3  }
0xa: {  	_ =	strace s19  }
0xb: {  	s3 =	sld [smem:$0x3FFC];
	_ =	sdelay $0x3  }
0xc: {  	_ =	strace s3  }
0xd: {  	s3 =	sld [smem:$0x3FFD];
	_ =	sdelay $0x3  }
0xe: {  	_ =	strace s3  }
0xf: {  	_ =	strace $0x8FFFFFFF  }
0x10: {  	s20 =	sld [smem:$0x3FDB];
	_ =	sdelay $0x1  }
0x11: {  	s4 =	simm.s32 $_scs_section_size  }
0x12: {  	s5 =	simm.s32 $_size__tile_overlayer_lowered;
	s6 =	simm.s32 $_tile_overlayer_lowered  }
0x13: {  	s23 =	simm.s32 $0x1BFF;
	s22 =	sshll.u32 s6, $0x1;
	s3 =	sadd.s32 s4, s20  }
0x14: {  	s7 =	simm.s32 $0x0;
	s21 =	sshll.u32 s5, $0x1;
	s5 =	sadd.s32 s22, s3  }
0x15: {  	[timem:s7], [sflag:s23] =	dma.local [hbm:s5], s21  }
0x16: {  	_ =	swait.ge [sflag:s23], s21  }
0x17: {  	s4 =	ssub.s32 $0x0, s21;
	[sflag:s23] =	ssyncset.done $0x0  }
0x18: {  	[sflag:s23] =	ssyncadd.s32 s4;
	_ =	sdelay $0x1  }
0x19: {  	s24 =	simm.s32 $0x1B8B  }
0x1a: {  	_ =	swait.ge [sflag:s24], $0x1  }
0x1b: {  	[sflag:s24] =	ssyncset.done $0x0  }
0x1c: {  	s26 =	simm.s32 $0x1B8E;
	s25 =	sld [smem:$0x3FFE];
	[sflag:s24] =	ssyncadd.s32 $0xFFFFFFFF  }
0x1d: {  	s27 =	simm.s32 $execute0_lowered;
	[smem:$0x3FD2] =	sst s26  }
0x1e: {  	s5 =	sshll.u32 s27, $0x1;
	_ =	strace $0x80000046;
	[dreg:$0x1] =	wrdreg $0xFFFFFFFF  }
0x1f: {  	s28 =	simm.s32 $_size_execute0_lowered;
	s3 =	sadd.s32 s3, s5;
	[dreg:$0x0] =	wrdreg $0x0  }
0x20: {  	s5 =	sshll.u32 s28, $0x1;
	[dreg:$0x2] =	wrdreg s3  }
0x21: {  	[dreg:$0x3] =	wrdreg s5  }
0x22: {  	[dreg:$0x4] =	wrdreg $0xC0  }
0x23: {  	_ =	task [dreg:s7], $0x5FFFF  }
0x24: {  	[dreg:$0x1] =	wrdreg $0xFFFFFFFF  }
0x25: {  	[dreg:$0x0] =	wrdreg $0x60  }
0x26: {  	[dreg:$0x2] =	wrdreg s2  }
0x27: {  	[dreg:$0x3] =	wrdreg s25  }
0x28: {  	[dreg:$0x4] =	wrdreg $0x9  }
0x29: {  	_ =	task.clear_ibuf [dreg:s7], $0x5FFFF;
	_ =	strace $0x90000046  }
0x2a: {  	s29 =	simm.s32 $0x9;
	_ =	strace $0x80000048  }
0x2b: {  	_ =	swait.ge [sflag:s29], $0x1  }
0x2c: {  	[sflag:s29] =	ssyncadd.s32 $0xFFFFFFFF  }
0x2d: {  	_ =	strace $0x90000048  }
0x2e: {  	_ =	sfence  }
0x2f: {  	s30 =	sld [smem:$0x0];
	_ =	sdelay $0x2  }
0x30: {  	s31 =	sshll.u32 s1, $0xD;
	s1 =	sshrl.u32 s1, $0x2  }
0x31: {  	s3 =	sand.u32 $0x4000, s31;
	s1 =	sadd.s32 s1, s30  }
0x32: {  	s0 =	sor.u32 s3, s0;
	s1 =	sshll.u32 s1, $0x11  }
0x33: {  	s0 =	sor.u32 s1, s0  }
0x34: {  	s0 =	sadd.s32 $0x8F2B, s0  }
0x35: {  	[sflag:s0] =	ssyncadd.remote.s32 $0x1  }
0x36: {  	_ =	sfence.sel $0xFFFF  }
0x37: {  	[dreg:$0x0] =	wrdreg $0xFFFFFFFF;
	(pc) =	sbr.abs _section_cstart, $3  }
0x38: {  	[dreg:$0x1] =	wrdreg $0xFFFFFFFF  }
0x39: {  	_ =	task.clear_ibuf [dreg:s7], $0x2FFFF;
	_ =	strace $0x9FFFFFFF  }
0x3a: {  	(tm) =	ssettm $0x7FFFFFFF  }
0x3b: {  	_ =	shalt  }
tec
execute0_lowered:
.L_overlay_start_1:
0x0: {  	(tag) =	ssettag $0x1  }
0x1: {  	s2 =	rddreg [dreg:$0x0];
	s0 =	srdreg.scid  }
0x2: {  	s4 =	rddreg [dreg:$0x1];
	s1 =	stileid.u32;
	s5 =	simm.s32 $0x1  }
0x3: {  	s7 =	simm.s32 $0x2;
	s8 =	simm.s32 $0x0;
	s3 =	sshll.u32 s0, $0x4  }
.Ltmp0:
0x4: {  	s9 =	simm.s32 $0x0;
	s3 =	sand.u32 $0x10, s3;
	(pc) =	sbr.rel .LBB1_1-.Ltmp0, $4  }
0x5: {  	s12 =	simm.s32 $0x0;
	s11 =	simm.s32 $0x0;
	s3 =	sor.u32 s1, s3  }
0x6: {  	s0 =	rddreg [dreg:$0x2];
	_ =	strace $0x80000047;
	s6 =	ssub.s32 $0x501, s3  }
0x7: {  	s4 =	sadd.s32 $0x2000, s4;
	[sflag:s5] =	ssyncpa.u1 $0x0;
	s6 =	sshrl.u32 s6, $0x5  }
0x8: {  	[sflag:s7] =	ssyncpa.u1 $0x0;
	s10 =	smov.u32 s3;
	s7 =	sadd.s32 $0x1, s6  }
.LBB1_7:
0x9: {  	s14 =	sadd.s32 $0x20, s10  }
0xa: {  	p1 =	sgt.s32 s14, $0x4E1  }
0xb: {  	s14 =	smov.u32 @p1 s3;
	p1 =	sne.s32 s11, s7  }
.Ltmp1:
0xc: {  	p0 =	slt.u32 s11, $0x2;
	(pc) =	sbr.rel @!p1 .LBB1_8-.Ltmp1, $4  }
0xd: {  	s13 =	simm.s32 @!p0 $0x2  }
0xe: {  	s15 =	sadd.s32 $0x1, s11;
	_ =	swait.ge @!p0 [sflag:s13], $0x4000  }
0xf: {  	s12 =	smov.u32 s10;
	s9 =	sadd.s32 $0x4000, s9;
	[sflag:s13] =	ssyncset.done @!p0 $0x0  }
0x10: {  	s11 =	smov.u32 s15;
	s10 =	smov.u32 s14;
	[sflag:s13] =	ssyncadd.s32 @!p0 $0xFFFFC000  }
.LBB1_1:
0x11: {  	p0 =	sge.u32 s11, s6  }
0x12: {  	s13 =	sxor.u32 @!p0 $0xFFFFFFFF, s11  }
0x13: {  	s31 =	sadd.s32 $0xFFFFFFFF, s11;
	s14 =	sshll.u32 @!p0 s10, $0xB;
	s13 =	sshll.u32 @!p0 s13, $0xE  }
0x14: {  	s15 =	simm.s32 @!p0 $0x0;
	s14 =	sadd.s32 @!p0 s2, s14;
	s13 =	sand.u32 @!p0 $0x4000, s13  }
0x15: {  	[tilespmem:s13], [sflag:$0x1] =	stream.linear.gather @!p0 [hbm4b:s14+s15], $0x4000, $0x38;
	[tilespmem:$0x10000] =	vst v63  }
0x16: {  	p0 =	sge.u32 s31, s6  }
.Ltmp2:
0x17: {  	_ = 	snop;
	(pc) =	sbr.rel @p0 .LBB1_7-.Ltmp2, $1  }
0x18: {  	_ =	sdelay $0x3  }
0x19: {  	s14 =	sand.u32 $0x4000, s9  }
0x1a: {  	_ =	swait.ge [sflag:s5], $0x4000;
	s15 =	sshll.u32 s11, $0xE;
	s16 =	simm.s32 $0x0  }
0x1b: {  	s13 =	sor.u32 $0x8040, s14;
	[sflag:s5] =	ssyncset.done $0x0;
	s15 =	sand.u32 $0x4000, s15  }
0x1c: {  	s14 =	sor.u32 $0x40, s14;
	[sflag:s5] =	ssyncadd.s32 $0xFFFFC000;
	s15 =	sor.u32 $0x8000, s15  }
.LBB1_3:
0x1d: {  	v0 =	vmov s14;
	_ =	sdelay $0x3  }
0x1e: {  	s18 =	simm.s32 $0x0  }
0x1f: {  	v6 =	vld.idx.msk [tilespmem:v0+s18+$0x30 ss:$0x1], $0xffff  }
0x20: {  	v7 =	vld.idx.msk [tilespmem:v0+s18+$0xFFFFFFC0 ss:$0x1], $0xffff  }
0x21: {  	v5 =	vld.idx.msk [tilespmem:v0+s18+$0xFFFFFFD0 ss:$0x1], $0xffff  }
0x22: {  	v4 =	vld.idx.msk [tilespmem:v0+s18+$0xFFFFFFE0 ss:$0x1], $0xffff  }
0x23: {  	v3 =	vld.idx.msk [tilespmem:v0+s18+$0xFFFFFFF0 ss:$0x1], $0xffff  }
0x24: {  	v1 =	vld.idx.msk [tilespmem:v0+s18+$0x0 ss:$0x1], $0xffff  }
0x25: {  	v2 =	vld.idx.msk [tilespmem:v0+s18+$0x10 ss:$0x1], $0xffff;
	[tilespmem:s13+$0x30] =	vst v6  }
0x26: {  	s17 =	simm.s32 $0x80;
	s19 =	simm.s32 $0x400;
	[tilespmem:s13+$0xFFFFFFC0] =	vst v7;
	v6 =	vld.idx.msk [tilespmem:v0+s18+$0x20 ss:$0x1], $0xffff;
	s18 =	smov.u32 s13  }
.LBB1_4:
0x27: {  	p0 =	sne.s32 s19, $0x1E00;
	v7 =	vld.idx.msk [tilespmem:v0+s17+$0x30 ss:$0x1], $0xffff;
	[tilespmem:s18+$0xFFFFFFD0] =	vst v5  }
0x28: {  	v8 =	vld.idx.msk [tilespmem:v0+s17+$0xFFFFFFC0 ss:$0x1], $0xffff;
	[tilespmem:s18+$0xFFFFFFE0] =	vst v4  }
0x29: {  	v5 =	vld.idx.msk [tilespmem:v0+s17+$0xFFFFFFD0 ss:$0x1], $0xffff;
	[tilespmem:s18+$0xFFFFFFF0] =	vst v3  }
.Ltmp3:
0x2a: {  	v4 =	vld.idx.msk [tilespmem:v0+s17+$0xFFFFFFE0 ss:$0x1], $0xffff;
	[tilespmem:s18+$0x0] =	vst v1;
	(pc) =	sbr.rel @p0 .LBB1_4-.Ltmp3, $4  }
0x2b: {  	v3 =	vld.idx.msk [tilespmem:v0+s17+$0xFFFFFFF0 ss:$0x1], $0xffff;
	[tilespmem:s18+$0x10] =	vst v2  }
0x2c: {  	v1 =	vld.idx.msk [tilespmem:v0+s17+$0x0 ss:$0x1], $0xffff;
	[tilespmem:s18+$0x20] =	vst v6;
	s18 =	sadd.s32 $0x400, s18  }
0x2d: {  	v2 =	vld.idx.msk [tilespmem:v0+s17+$0x10 ss:$0x1], $0xffff;
	[tilespmem:s18+$0x30] =	vst v7  }
0x2e: {  	[tilespmem:s18+$0xFFFFFFC0] =	vst v8;
	v6 =	vld.idx.msk [tilespmem:v0+s17+$0x20 ss:$0x1], $0xffff;
	s17 =	sshra.s32 s19, $0x2;
	s19 =	sadd.s32 $0x200, s19  }
0x2f: {  	_ =	sdelay $0x2  }
0x30: {  	[tilespmem:s18+$0xFFFFFFD0] =	vst v5  }
0x31: {  	v56 =	vld.idx.msk [tilespmem:v0+s17+$0x30 ss:$0x1], $0xffff;
	[tilespmem:s18+$0xFFFFFFE0] =	vst v4  }
0x32: {  	v57 =	vld.idx.msk [tilespmem:v0+s17+$0xFFFFFFC0 ss:$0x1], $0xffff;
	[tilespmem:s18+$0xFFFFFFF0] =	vst v3  }
0x33: {  	v58 =	vld.idx.msk [tilespmem:v0+s17+$0xFFFFFFD0 ss:$0x1], $0xffff;
	[tilespmem:s18+$0x0] =	vst v1  }
0x34: {  	v59 =	vld.idx.msk [tilespmem:v0+s17+$0xFFFFFFE0 ss:$0x1], $0xffff;
	[tilespmem:s18+$0x10] =	vst v2  }
0x35: {  	v60 =	vld.idx.msk [tilespmem:v0+s17+$0xFFFFFFF0 ss:$0x1], $0xffff;
	s31 =	sadd.s32 $0x400, s18;
	[tilespmem:s18+$0x20] =	vst v6  }
0x36: {  	v61 =	vld.idx.msk [tilespmem:v0+s17+$0x0 ss:$0x1], $0xffff;
	[tilespmem:s31+$0x30] =	vst v56  }
0x37: {  	v62 =	vld.idx.msk [tilespmem:v0+s17+$0x10 ss:$0x1], $0xffff;
	s16 =	sadd.s32 $0x1, s16;
	[tilespmem:s31+$0xFFFFFFC0] =	vst v57  }
0x38: {  	v63 =	vld.idx.msk [tilespmem:v0+s17+$0x20 ss:$0x1], $0xffff;
	p0 =	sne.s32 s16, $0x8;
	[tilespmem:s31+$0xFFFFFFD0] =	vst v58  }
.Ltmp4:
0x39: {  	[tilespmem:s31+$0xFFFFFFE0] =	vst v59;
	(pc) =	sbr.rel @p0 .LBB1_3-.Ltmp4, $4  }
0x3a: {  	[tilespmem:s31+$0xFFFFFFF0] =	vst v60  }
0x3b: {  	[tilespmem:s31+$0x0] =	vst v61  }
0x3c: {  	[tilespmem:s31+$0x10] =	vst v62  }
0x3d: {  	s13 =	sadd.s32 $0x80, s13;
	s14 =	sadd.s32 $0x800, s14;
	[tilespmem:s31+$0x20] =	vst v63  }
.Ltmp5:
0x3e: {  	(pc) =	sbr.rel .LBB1_7-.Ltmp5, $4  }
0x3f: {  	_ = 	snop  }
0x40: {  	s12 =	sshll.u32 s12, $0xB  }
0x41: {  	s12 =	sadd.s32 s4, s12  }
0x42: {  	[hbm4b:s12+s8] =	stream.linear.scatter [tilespmem:s15], [sflag:$0x2], $0x4000, $0x38;
	[tilespmem:$0x10000] =	vst v63  }
.LBB1_8:
0x43: {  	_ =	sfence.sel $0x180000  }
0x44: {  	s2 =	simm.s32 $0x1;
	[bflag:$0x0] =	sbarrier.arrive $0xFFFF  }
0x45: {  	s31 =	simm.s32 $0x2;
	[sflag:s2] =	ssyncpa.u1 $0x1  }
0x46: {  	[sflag:s31] =	ssyncpa.u1 $0x1  }
0x47: {  	p0 =	sne.s32 s1, $0x0;
	_ =	strace $0x90000047  }
0x48: {  	s0 =	sadd.s32 @!p0 $0x100000, s0;
	[bflag:$0x2] =	sbarrier.arrive $0xFFFF  }
0x49: {  	[sflag:s0] =	ssyncadd.tile.s32 @!p0 $0x1;
	_ =	shalt  }
.Lfunc_end1:
_tile_overlayer_lowered:
.L_overlay_start_2:
0x4a: {  	(tag) =	ssettag $0x2  }
0x4b: {  	s0 =	rddreg [dreg:$0x0];
	s2 =	stileid.u32  }
0x4c: {  	s1 =	rddreg [dreg:$0x1];
	p0 =	sne.s32 s2, $0x0  }
0x4d: {  	s3 =	rddreg [dreg:$0x2];
	[bflag:$0x3] =	sbarrier.arrive $0xFFFF;
	s2 =	simm.s32 @!p0 $0x1C01  }
0x4e: {  	[timem:s3], [sflag:s2] =	dma.local @!p0 [hbm:s0], s1  }
0x4f: {  	s0 =	simm.s32 @!p0 $0x1  }
0x50: {  	_ =	swait.ge @!p0 [sflag:s0], s1  }
0x51: {  	s1 =	ssub.s32 @!p0 $0x0, s1;
	[sflag:s0] =	ssyncset.done @!p0 $0x0  }
0x52: {  	[sflag:s0] =	ssyncadd.s32 @!p0 s1  }
0x53: {  	[bflag:$0x3] =	sbarrier.arrive $0xFFFF  }
0x54: {  	_ =	shalt  }

</sc_bundles>
